<compile_context>
chip_gen: v7x
topology: tpu7x:2x2x1
jax: 0.10.2.dev20260603
libtpu: 0.0.44.dev20260713+nightly
codegen_flags: <defaults>
</compile_context>

<pallas_src>
import functools

import jax
import jax.numpy as jnp
from jax import lax
from jax.experimental import pallas as pl
from jax.experimental.pallas import tpu as pltpu
from jax.experimental.pallas import tpu_sc as plsc

BATCH = 16384
EMBED = 64
FEAT = 128
HID = 128

NC = 2
NS = 16
NW = NC * NS
BPW = BATCH // NW


def _gather_body(uix, pix, ut2, pt2, u_out, p_out,
                 idx_v, rows_v, sem):
    wid = lax.axis_index("s") * NC + lax.axis_index("c")
    base = wid * BPW

    for tab, out in ((ut2, u_out), (pt2, p_out)):
        ix = uix if tab is ut2 else pix
        pltpu.sync_copy(ix.at[pl.ds(base, BPW)], idx_v)

        def group(g):
            v = idx_v[pl.ds(g * 16, 16)]
            for lane in range(16):
                pltpu.async_copy(
                    tab.at[pl.ds(v[lane], 1)],
                    rows_v.at[pl.ds(g * 16 + lane, 1)], sem)

        pl.loop(0, BPW // 16)(group)
        pltpu.make_async_copy(
            tab.at[pl.ds(0, BPW)], rows_v, sem).wait()
        pltpu.sync_copy(rows_v, out.at[pl.ds(base, BPW)])


def _sc_gather(uix, pix, ut2, pt2):
    mesh = plsc.VectorSubcoreMesh(core_axis_name="c", subcore_axis_name="s")
    fn = functools.partial(
        pl.kernel,
        mesh=mesh,
        out_type=(
            jax.ShapeDtypeStruct((BATCH, EMBED), jnp.float32),
            jax.ShapeDtypeStruct((BATCH, EMBED), jnp.float32),
        ),
        scratch_types=[
            pltpu.VMEM((BPW,), jnp.int32),
            pltpu.VMEM((BPW, EMBED), jnp.float32),
            pltpu.SemaphoreType.DMA,
        ],
    )(_gather_body)
    return fn(uix, pix, ut2, pt2)


def _mlp_body(u, p, f, w1u, w1p, w1f, b1, w2, b2, w3t, b3, o):
    x1 = jnp.dot(u[:], w1u[:], preferred_element_type=jnp.float32)
    x1 = x1 + jnp.dot(p[:], w1p[:], preferred_element_type=jnp.float32)
    x1 = x1 + jnp.dot(f[:], w1f[:], preferred_element_type=jnp.float32)
    h1 = jnp.maximum(x1 + b1[:], 0.0)
    h2 = jnp.maximum(
        jnp.dot(h1, w2[:], preferred_element_type=jnp.float32) + b2[:], 0.0)
    s = jnp.sum(h2 * w3t[:], axis=1, keepdims=True) + b3[:]
    o[:] = 1.0 / (1.0 + jnp.exp(-s))


def _tc_mlp(u, p, f, w1u, w1p, w1f, b1, w2, b2, w3t, b3, tile=512):
    grid = BATCH // tile
    full = lambda i: (0, 0)
    return pl.pallas_call(
        _mlp_body,
        grid=(grid,),
        in_specs=[
            pl.BlockSpec((tile, EMBED), lambda i: (i, 0)),
            pl.BlockSpec((tile, EMBED), lambda i: (i, 0)),
            pl.BlockSpec((tile, FEAT), lambda i: (i, 0)),
            pl.BlockSpec((EMBED, HID), full),
            pl.BlockSpec((EMBED, HID), full),
            pl.BlockSpec((FEAT, HID), full),
            pl.BlockSpec((1, HID), full),
            pl.BlockSpec((HID, HID), full),
            pl.BlockSpec((1, HID), full),
            pl.BlockSpec((1, HID), full),
            pl.BlockSpec((1, 1), full),
        ],
        out_specs=pl.BlockSpec((tile, 1), lambda i: (i, 0)),
        out_shape=jax.ShapeDtypeStruct((BATCH, 1), jnp.float32),
    )(u, p, f, w1u, w1p, w1f, b1, w2, b2, w3t, b3)


def kernel(user_indices, post_indices, features, user_table, post_table,
           W1, b1, W2, b2, W3, b3):
    ui = user_indices.astype(jnp.int32)
    pi = post_indices.astype(jnp.int32)
    u, p = _sc_gather(ui, pi, user_table, post_table)
    o = _tc_mlp(
        u, p, features,
        W1[:EMBED], W1[EMBED:2 * EMBED], W1[2 * EMBED:],
        b1.reshape(1, HID), W2, b2.reshape(1, HID),
        W3.reshape(1, HID), b3.reshape(1, 1))
    return o.reshape(BATCH)

# --- scband reference (transcript-rebuilt; emitter-appended) ---
"""Pipeline reference for scband-feed-ranker-18485539242127 (READ-ONLY COPY).

The authoritative reference and input builder live on the scoring server;
editing this copy changes nothing except your own understanding.
"""

import jax, jax.numpy as jnp
import numpy as np

NUM_USERS = 1000000
NUM_POSTS = 1000000
FEATURE_DIM = 128
EMBED_DIM = 64
HIDDEN_DIM = 128
BATCH = 16384
INPUT_DIM = EMBED_DIM * 2 + FEATURE_DIM


def setup_inputs(seed: int = 0) -> dict:
    key = jax.random.key(seed)
    ks = jax.random.split(key, 12)
    user_indices = jax.random.randint(ks[0], (BATCH,), 0, NUM_USERS, dtype=jnp.int64 if jax.config.jax_enable_x64 else jnp.int32)
    post_indices = jax.random.randint(ks[1], (BATCH,), 0, NUM_POSTS, dtype=jnp.int64 if jax.config.jax_enable_x64 else jnp.int32)
    features = jax.random.normal(ks[2], (BATCH, FEATURE_DIM), dtype=jnp.float32)
    user_table = jax.random.normal(ks[3], (NUM_USERS, EMBED_DIM), dtype=jnp.float32) * 0.02
    post_table = jax.random.normal(ks[4], (NUM_POSTS, EMBED_DIM), dtype=jnp.float32) * 0.02
    W1 = jax.random.normal(ks[5], (INPUT_DIM, HIDDEN_DIM), dtype=jnp.float32) * (1.0 / np.sqrt(INPUT_DIM))
    b1 = jnp.zeros((HIDDEN_DIM,), dtype=jnp.float32)
    W2 = jax.random.normal(ks[6], (HIDDEN_DIM, HIDDEN_DIM), dtype=jnp.float32) * (1.0 / np.sqrt(HIDDEN_DIM))
    b2 = jnp.zeros((HIDDEN_DIM,), dtype=jnp.float32)
    W3 = jax.random.normal(ks[7], (HIDDEN_DIM, 1), dtype=jnp.float32) * (1.0 / np.sqrt(HIDDEN_DIM))
    b3 = jnp.zeros((1,), dtype=jnp.float32)
    return {
        'user_indices': user_indices,
        'post_indices': post_indices,
        'features': features,
        'user_table': user_table,
        'post_table': post_table,
        'W1': W1, 'b1': b1, 'W2': W2, 'b2': b2, 'W3': W3, 'b3': b3,
    }


def reference(user_indices, post_indices, features, user_table, post_table, W1, b1, W2, b2, W3, b3):
    # embedding lookups (SparseCore gathers)
    u = jnp.take(user_table, user_indices, axis=0)
    p = jnp.take(post_table, post_indices, axis=0)
    x = jnp.concatenate([u, p, features], axis=-1)
    h = jax.nn.relu(x @ W1 + b1)
    h = jax.nn.relu(h @ W2 + b2)
    out = jax.nn.sigmoid(h @ W3 + b3)
    return jnp.squeeze(out, axis=-1)

if __name__ == "__main__":
    import jax
    _d = setup_inputs()
    print(jax.jit(kernel)(*tuple(_d.values())))

</pallas_src>

<mosaic_0001>
#map = affine_map<(d0, d1) -> (0)>
#map1 = affine_map<(d0, d1) -> (0, 0)>
module attributes {stable_mosaic.version = 14 : i64} {
  func.func @_gather_body(%arg0: i32, %arg1: i32, %arg2: memref<16384xi32, #tpu.memory_space<hbm>>, %arg3: memref<16384xi32, #tpu.memory_space<hbm>>, %arg4: memref<1000000x64xf32, #tpu.memory_space<hbm>>, %arg5: memref<1000000x64xf32, #tpu.memory_space<hbm>>, %arg6: memref<16384x64xf32, #tpu.memory_space<hbm>>, %arg7: memref<16384x64xf32, #tpu.memory_space<hbm>>, %arg8: memref<512xi32, #tpu.memory_space<vmem>>, %arg9: memref<512x64xf32, #tpu.memory_space<vmem>>, %arg10: memref<!tpu.dma_semaphore, #tpu.memory_space<semaphore_mem>>) attributes {dimension_semantics = [#tpu.dimension_semantics<core_parallel>, #tpu.dimension_semantics<subcore_parallel>], iteration_bounds = array<i64: 2, 16>, scalar_prefetch = 0 : i64, scratch_operands = 3 : i64, tpu.core_type = #tpu.core_type<sc_vector_subcore>, window_params = [{transform_indices = #map}, {transform_indices = #map}, {transform_indices = #map1}, {transform_indices = #map1}, {transform_indices = #map1}, {transform_indices = #map1}]} {
    %mul3A = arith.constant 2 : i32
    %mul3A_0 = arith.muli %arg1, %mul3A : i32
    %add3A = arith.addi %mul3A_0, %arg0 : i32
    %mul3A_1 = arith.constant 512 : i32
    %mul3A_2 = arith.muli %add3A, %mul3A_1 : i32
    "tpu.region"() ({
      %run_scoped3A = tpu.sem_alloc : memref<!tpu.dma_semaphore, #tpu.memory_space<semaphore_mem>>
      %dma_start3A = tpu.memref_slice %arg2[%mul3A_2] : memref<16384xi32, #tpu.memory_space<hbm>> -> memref<512xi32, #tpu.memory_space<hbm>>
      %dma_start3A_23 = tpu.memref_slice %arg2[%mul3A_2] : memref<16384xi32, #tpu.memory_space<hbm>> -> memref<512xi32, #tpu.memory_space<hbm>>
      tpu.enqueue_dma source(%dma_start3A_23 : memref<512xi32, #tpu.memory_space<hbm>>) target(%arg8 : memref<512xi32, #tpu.memory_space<vmem>>) target_semaphore(%run_scoped3A : memref<!tpu.dma_semaphore, #tpu.memory_space<semaphore_mem>>)
      %dma_wait3A_24 = tpu.memref_slice %arg2[%mul3A_2] : memref<16384xi32, #tpu.memory_space<hbm>> -> memref<512xi32, #tpu.memory_space<hbm>>
      %dma_wait3A_25 = tpu.memref_slice %arg2[%mul3A_2] : memref<16384xi32, #tpu.memory_space<hbm>> -> memref<512xi32, #tpu.memory_space<hbm>>
      tpu.wait_dma2 semaphore(%run_scoped3A : memref<!tpu.dma_semaphore, #tpu.memory_space<semaphore_mem>>) src(%dma_wait3A_25 : memref<512xi32, #tpu.memory_space<hbm>>) dst(%arg8 : memref<512xi32, #tpu.memory_space<vmem>>)
      tpu.yield
    }) : () -> ()
    %scan3A = arith.constant 0 : i32
    %scan3A_3 = arith.constant 32 : i32
    %scan3A_4 = arith.addi %scan3A, %scan3A_3 : i32
    %scan3A_5 = arith.constant 1 : i32
    scf.for %scan3A_23 = %scan3A to %scan3A_4 step %scan3A_5  : i32 {
      %mul3A_24 = arith.constant 1 : i32
      %mul3A_25 = arith.muli %scan3A_23, %mul3A_24 : i32
      %add3A_26 = arith.constant 0 : i32
      %add3A_27 = arith.addi %add3A_26, %mul3A_25 : i32
      %mul3A_28 = arith.constant 16 : i32
      %mul3A_29 = arith.muli %add3A_27, %mul3A_28 : i32
      %get3A = arith.index_cast %mul3A_29 : i32 to index
      %get3A_30 = tpu.vector_load %arg8[%get3A] {strides = array<i32>} : memref<512xi32, #tpu.memory_space<vmem>>, vector<16xi32>,
      %get3A_31 = vector.shape_cast %get3A_30 : vector<16xi32> to vector<16xi32>
      %slice3A = vector.extract_strided_slice %get3A_31 {offsets = [0], sizes = [1], strides = [1]} : vector<16xi32> to vector<1xi32>
      %squeeze3A = vector.extract %slice3A[0] : i32 from vector<1xi32>
      %mul3A_32 = arith.constant 16 : i32
      %mul3A_33 = arith.muli %add3A_27, %mul3A_32 : i32
      %add3A_34 = arith.constant 0 : i32
      %add3A_35 = arith.addi %mul3A_33, %add3A_34 : i32
      %dma_start3A = arith.constant 0 : i32
      %dma_start3A_36 = tpu.memref_slice %arg9[%add3A_35, %dma_start3A] : memref<512x64xf32, #tpu.memory_space<vmem>> -> memref<1x64xf32, #tpu.memory_space<vmem>>
      %dma_start3A_37 = arith.constant 0 : i32
      %dma_start3A_38 = tpu.memref_slice %arg4[%squeeze3A, %dma_start3A_37] : memref<1000000x64xf32, #tpu.memory_space<hbm>> -> memref<1x64xf32, #tpu.memory_space<hbm>>
      %dma_start3A_39 = arith.constant 0 : i32
      %dma_start3A_40 = tpu.memref_slice %arg9[%add3A_35, %dma_start3A_39] : memref<512x64xf32, #tpu.memory_space<vmem>> -> memref<1x64xf32, #tpu.memory_space<vmem>>
      %dma_start3A_41 = arith.constant 0 : i32
      %dma_start3A_42 = tpu.memref_slice %arg4[%squeeze3A, %dma_start3A_41] : memref<1000000x64xf32, #tpu.memory_space<hbm>> -> memref<1x64xf32, #tpu.memory_space<hbm>>
      tpu.enqueue_dma source(%dma_start3A_42 : memref<1x64xf32, #tpu.memory_space<hbm>>) target(%dma_start3A_40 : memref<1x64xf32, #tpu.memory_space<vmem>>) target_semaphore(%arg10 : memref<!tpu.dma_semaphore, #tpu.memory_space<semaphore_mem>>)
      %slice3A_43 = vector.extract_strided_slice %get3A_31 {offsets = [1], sizes = [1], strides = [1]} : vector<16xi32> to vector<1xi32>
      %squeeze3A_44 = vector.extract %slice3A_43[0] : i32 from vector<1xi32>
      %mul3A_45 = arith.constant 16 : i32
      %mul3A_46 = arith.muli %add3A_27, %mul3A_45 : i32
      %add3A_47 = arith.constant 1 : i32
      %add3A_48 = arith.addi %mul3A_46, %add3A_47 : i32
      %dma_start3A_49 = arith.constant 0 : i32
      %dma_start3A_50 = tpu.memref_slice %arg9[%add3A_48, %dma_start3A_49] : memref<512x64xf32, #tpu.memory_space<vmem>> -> memref<1x64xf32, #tpu.memory_space<vmem>>
      %dma_start3A_51 = arith.constant 0 : i32
      %dma_start3A_52 = tpu.memref_slice %arg4[%squeeze3A_44, %dma_start3A_51] : memref<1000000x64xf32, #tpu.memory_space<hbm>> -> memref<1x64xf32, #tpu.memory_space<hbm>>
      %dma_start3A_53 = arith.constant 0 : i32
      %dma_start3A_54 = tpu.memref_slice %arg9[%add3A_48, %dma_start3A_53] : memref<512x64xf32, #tpu.memory_space<vmem>> -> memref<1x64xf32, #tpu.memory_space<vmem>>
      %dma_start3A_55 = arith.constant 0 : i32
      %dma_start3A_56 = tpu.memref_slice %arg4[%squeeze3A_44, %dma_start3A_55] : memref<1000000x64xf32, #tpu.memory_space<hbm>> -> memref<1x64xf32, #tpu.memory_space<hbm>>
      tpu.enqueue_dma source(%dma_start3A_56 : memref<1x64xf32, #tpu.memory_space<hbm>>) target(%dma_start3A_54 : memref<1x64xf32, #tpu.memory_space<vmem>>) target_semaphore(%arg10 : memref<!tpu.dma_semaphore, #tpu.memory_space<semaphore_mem>>)
      %slice3A_57 = vector.extract_strided_slice %get3A_31 {offsets = [2], sizes = [1], strides = [1]} : vector<16xi32> to vector<1xi32>
      %squeeze3A_58 = vector.extract %slice3A_57[0] : i32 from vector<1xi32>
      %mul3A_59 = arith.constant 16 : i32
      %mul3A_60 = arith.muli %add3A_27, %mul3A_59 : i32
      %add3A_61 = arith.constant 2 : i32
      %add3A_62 = arith.addi %mul3A_60, %add3A_61 : i32
      %dma_start3A_63 = arith.constant 0 : i32
      %dma_start3A_64 = tpu.memref_slice %arg9[%add3A_62, %dma_start3A_63] : memref<512x64xf32, #tpu.memory_space<vmem>> -> memref<1x64xf32, #tpu.memory_space<vmem>>
      %dma_start3A_65 = arith.constant 0 : i32
      %dma_start3A_66 = tpu.memref_slice %arg4[%squeeze3A_58, %dma_start3A_65] : memref<1000000x64xf32, #tpu.memory_space<hbm>> -> memref<1x64xf32, #tpu.memory_space<hbm>>
      %dma_start3A_67 = arith.constant 0 : i32
      %dma_start3A_68 = tpu.memref_slice %arg9[%add3A_62, %dma_start3A_67] : memref<512x64xf32, #tpu.memory_space<vmem>> -> memref<1x64xf32, #tpu.memory_space<vmem>>
      %dma_start3A_69 = arith.constant 0 : i32
      %dma_start3A_70 = tpu.memref_slice %arg4[%squeeze3A_58, %dma_start3A_69] : memref<1000000x64xf32, #tpu.memory_space<hbm>> -> memref<1x64xf32, #tpu.memory_space<hbm>>
      tpu.enqueue_dma source(%dma_start3A_70 : memref<1x64xf32, #tpu.memory_space<hbm>>) target(%dma_start3A_68 : memref<1x64xf32, #tpu.memory_space<vmem>>) target_semaphore(%arg10 : memref<!tpu.dma_semaphore, #tpu.memory_space<semaphore_mem>>)
      %slice3A_71 = vector.extract_strided_slice %get3A_31 {offsets = [3], sizes = [1], strides = [1]} : vector<16xi32> to vector<1xi32>
      %squeeze3A_72 = vector.extract %slice3A_71[0] : i32 from vector<1xi32>
      %mul3A_73 = arith.constant 16 : i32
      %mul3A_74 = arith.muli %add3A_27, %mul3A_73 : i32
      %add3A_75 = arith.constant 3 : i32
      %add3A_76 = arith.addi %mul3A_74, %add3A_75 : i32
      %dma_start3A_77 = arith.constant 0 : i32
      %dma_start3A_78 = tpu.memref_slice %arg9[%add3A_76, %dma_start3A_77] : memref<512x64xf32, #tpu.memory_space<vmem>> -> memref<1x64xf32, #tpu.memory_space<vmem>>
      %dma_start3A_79 = arith.constant 0 : i32
      %dma_start3A_80 = tpu.memref_slice %arg4[%squeeze3A_72, %dma_start3A_79] : memref<1000000x64xf32, #tpu.memory_space<hbm>> -> memref<1x64xf32, #tpu.memory_space<hbm>>
      %dma_start3A_81 = arith.constant 0 : i32
      %dma_start3A_82 = tpu.memref_slice %arg9[%add3A_76, %dma_start3A_81] : memref<512x64xf32, #tpu.memory_space<vmem>> -> memref<1x64xf32, #tpu.memory_space<vmem>>
      %dma_start3A_83 = arith.constant 0 : i32
      %dma_start3A_84 = tpu.memref_slice %arg4[%squeeze3A_72, %dma_start3A_83] : memref<1000000x64xf32, #tpu.memory_space<hbm>> -> memref<1x64xf32, #tpu.memory_space<hbm>>
      tpu.enqueue_dma source(%dma_start3A_84 : memref<1x64xf32, #tpu.memory_space<hbm>>) target(%dma_start3A_82 : memref<1x64xf32, #tpu.memory_space<vmem>>) target_semaphore(%arg10 : memref<!tpu.dma_semaphore, #tpu.memory_space<semaphore_mem>>)
      %slice3A_85 = vector.extract_strided_slice %get3A_31 {offsets = [4], sizes = [1], strides = [1]} : vector<16xi32> to vector<1xi32>
      %squeeze3A_86 = vector.extract %slice3A_85[0] : i32 from vector<1xi32>
      %mul3A_87 = arith.constant 16 : i32
      %mul3A_88 = arith.muli %add3A_27, %mul3A_87 : i32
      %add3A_89 = arith.constant 4 : i32
      %add3A_90 = arith.addi %mul3A_88, %add3A_89 : i32
      %dma_start3A_91 = arith.constant 0 : i32
      %dma_start3A_92 = tpu.memref_slice %arg9[%add3A_90, %dma_start3A_91] : memref<512x64xf32, #tpu.memory_space<vmem>> -> memref<1x64xf32, #tpu.memory_space<vmem>>
      %dma_start3A_93 = arith.constant 0 : i32
      %dma_start3A_94 = tpu.memref_slice %arg4[%squeeze3A_86, %dma_start3A_93] : memref<1000000x64xf32, #tpu.memory_space<hbm>> -> memref<1x64xf32, #tpu.memory_space<hbm>>
      %dma_start3A_95 = arith.constant 0 : i32
      %dma_start3A_96 = tpu.memref_slice %arg9[%add3A_90, %dma_start3A_95] : memref<512x64xf32, #tpu.memory_space<vmem>> -> memref<1x64xf32, #tpu.memory_space<vmem>>
      %dma_start3A_97 = arith.constant 0 : i32
      %dma_start3A_98 = tpu.memref_slice %arg4[%squeeze3A_86, %dma_start3A_97] : memref<1000000x64xf32, #tpu.memory_space<hbm>> -> memref<1x64xf32, #tpu.memory_space<hbm>>
      tpu.enqueue_dma source(%dma_start3A_98 : memref<1x64xf32, #tpu.memory_space<hbm>>) target(%dma_start3A_96 : memref<1x64xf32, #tpu.memory_space<vmem>>) target_semaphore(%arg10 : memref<!tpu.dma_semaphore, #tpu.memory_space<semaphore_mem>>)
      %slice3A_99 = vector.extract_strided_slice %get3A_31 {offsets = [5], sizes = [1], strides = [1]} : vector<16xi32> to vector<1xi32>
      %squeeze3A_100 = vector.extract %slice3A_99[0] : i32 from vector<1xi32>
      %mul3A_101 = arith.constant 16 : i32
      %mul3A_102 = arith.muli %add3A_27, %mul3A_101 : i32
      %add3A_103 = arith.constant 5 : i32
      %add3A_104 = arith.addi %mul3A_102, %add3A_103 : i32
      %dma_start3A_105 = arith.constant 0 : i32
      %dma_start3A_106 = tpu.memref_slice %arg9[%add3A_104, %dma_start3A_105] : memref<512x64xf32, #tpu.memory_space<vmem>> -> memref<1x64xf32, #tpu.memory_space<vmem>>
      %dma_start3A_107 = arith.constant 0 : i32
      %dma_start3A_108 = tpu.memref_slice %arg4[%squeeze3A_100, %dma_start3A_107] : memref<1000000x64xf32, #tpu.memory_space<hbm>> -> memref<1x64xf32, #tpu.memory_space<hbm>>
      %dma_start3A_109 = arith.constant 0 : i32
      %dma_start3A_110 = tpu.memref_slice %arg9[%add3A_104, %dma_start3A_109] : memref<512x64xf32, #tpu.memory_space<vmem>> -> memref<1x64xf32, #tpu.memory_space<vmem>>
      %dma_start3A_111 = arith.constant 0 : i32
      %dma_start3A_112 = tpu.memref_slice %arg4[%squeeze3A_100, %dma_start3A_111] : memref<1000000x64xf32, #tpu.memory_space<hbm>> -> memref<1x64xf32, #tpu.memory_space<hbm>>
      tpu.enqueue_dma source(%dma_start3A_112 : memref<1x64xf32, #tpu.memory_space<hbm>>) target(%dma_start3A_110 : memref<1x64xf32, #tpu.memory_space<vmem>>) target_semaphore(%arg10 : memref<!tpu.dma_semaphore, #tpu.memory_space<semaphore_mem>>)
      %slice3A_113 = vector.extract_strided_slice %get3A_31 {offsets = [6], sizes = [1], strides = [1]} : vector<16xi32> to vector<1xi32>
      %squeeze3A_114 = vector.extract %slice3A_113[0] : i32 from vector<1xi32>
      %mul3A_115 = arith.constant 16 : i32
      %mul3A_116 = arith.muli %add3A_27, %mul3A_115 : i32
      %add3A_117 = arith.constant 6 : i32
      %add3A_118 = arith.addi %mul3A_116, %add3A_117 : i32
      %dma_start3A_119 = arith.constant 0 : i32
      %dma_start3A_120 = tpu.memref_slice %arg9[%add3A_118, %dma_start3A_119] : memref<512x64xf32, #tpu.memory_space<vmem>> -> memref<1x64xf32, #tpu.memory_space<vmem>>
      %dma_start3A_121 = arith.constant 0 : i32
      %dma_start3A_122 = tpu.memref_slice %arg4[%squeeze3A_114, %dma_start3A_121] : memref<1000000x64xf32, #tpu.memory_space<hbm>> -> memref<1x64xf32, #tpu.memory_space<hbm>>
      %dma_start3A_123 = arith.constant 0 : i32
      %dma_start3A_124 = tpu.memref_slice %arg9[%add3A_118, %dma_start3A_123] : memref<512x64xf32, #tpu.memory_space<vmem>> -> memref<1x64xf32, #tpu.memory_space<vmem>>
      %dma_start3A_125 = arith.constant 0 : i32
      %dma_start3A_126 = tpu.memref_slice %arg4[%squeeze3A_114, %dma_start3A_125] : memref<1000000x64xf32, #tpu.memory_space<hbm>> -> memref<1x64xf32, #tpu.memory_space<hbm>>
      tpu.enqueue_dma source(%dma_start3A_126 : memref<1x64xf32, #tpu.memory_space<hbm>>) target(%dma_start3A_124 : memref<1x64xf32, #tpu.memory_space<vmem>>) target_semaphore(%arg10 : memref<!tpu.dma_semaphore, #tpu.memory_space<semaphore_mem>>)
      %slice3A_127 = vector.extract_strided_slice %get3A_31 {offsets = [7], sizes = [1], strides = [1]} : vector<16xi32> to vector<1xi32>
      %squeeze3A_128 = vector.extract %slice3A_127[0] : i32 from vector<1xi32>
      %mul3A_129 = arith.constant 16 : i32
      %mul3A_130 = arith.muli %add3A_27, %mul3A_129 : i32
      %add3A_131 = arith.constant 7 : i32
      %add3A_132 = arith.addi %mul3A_130, %add3A_131 : i32
      %dma_start3A_133 = arith.constant 0 : i32
      %dma_start3A_134 = tpu.memref_slice %arg9[%add3A_132, %dma_start3A_133] : memref<512x64xf32, #tpu.memory_space<vmem>> -> memref<1x64xf32, #tpu.memory_space<vmem>>
      %dma_start3A_135 = arith.constant 0 : i32
      %dma_start3A_136 = tpu.memref_slice %arg4[%squeeze3A_128, %dma_start3A_135] : memref<1000000x64xf32, #tpu.memory_space<hbm>> -> memref<1x64xf32, #tpu.memory_space<hbm>>
      %dma_start3A_137 = arith.constant 0 : i32
      %dma_start3A_138 = tpu.memref_slice %arg9[%add3A_132, %dma_start3A_137] : memref<512x64xf32, #tpu.memory_space<vmem>> -> memref<1x64xf32, #tpu.memory_space<vmem>>
      %dma_start3A_139 = arith.constant 0 : i32
      %dma_start3A_140 = tpu.memref_slice %arg4[%squeeze3A_128, %dma_start3A_139] : memref<1000000x64xf32, #tpu.memory_space<hbm>> -> memref<1x64xf32, #tpu.memory_space<hbm>>
      tpu.enqueue_dma source(%dma_start3A_140 : memref<1x64xf32, #tpu.memory_space<hbm>>) target(%dma_start3A_138 : memref<1x64xf32, #tpu.memory_space<vmem>>) target_semaphore(%arg10 : memref<!tpu.dma_semaphore, #tpu.memory_space<semaphore_mem>>)
      %slice3A_141 = vector.extract_strided_slice %get3A_31 {offsets = [8], sizes = [1], strides = [1]} : vector<16xi32> to vector<1xi32>
      %squeeze3A_142 = vector.extract %slice3A_141[0] : i32 from vector<1xi32>
      %mul3A_143 = arith.constant 16 : i32
      %mul3A_144 = arith.muli %add3A_27, %mul3A_143 : i32
      %add3A_145 = arith.constant 8 : i32
      %add3A_146 = arith.addi %mul3A_144, %add3A_145 : i32
      %dma_start3A_147 = arith.constant 0 : i32
      %dma_start3A_148 = tpu.memref_slice %arg9[%add3A_146, %dma_start3A_147] : memref<512x64xf32, #tpu.memory_space<vmem>> -> memref<1x64xf32, #tpu.memory_space<vmem>>
      %dma_start3A_149 = arith.constant 0 : i32
      %dma_start3A_150 = tpu.memref_slice %arg4[%squeeze3A_142, %dma_start3A_149] : memref<1000000x64xf32, #tpu.memory_space<hbm>> -> memref<1x64xf32, #tpu.memory_space<hbm>>
      %dma_start3A_151 = arith.constant 0 : i32
      %dma_start3A_152 = tpu.memref_slice %arg9[%add3A_146, %dma_start3A_151] : memref<512x64xf32, #tpu.memory_space<vmem>> -> memref<1x64xf32, #tpu.memory_space<vmem>>
      %dma_start3A_153 = arith.constant 0 : i32
      %dma_start3A_154 = tpu.memref_slice %arg4[%squeeze3A_142, %dma_start3A_153] : memref<1000000x64xf32, #tpu.memory_space<hbm>> -> memref<1x64xf32, #tpu.memory_space<hbm>>
      tpu.enqueue_dma source(%dma_start3A_154 : memref<1x64xf32, #tpu.memory_space<hbm>>) target(%dma_start3A_152 : memref<1x64xf32, #tpu.memory_space<vmem>>) target_semaphore(%arg10 : memref<!tpu.dma_semaphore, #tpu.memory_space<semaphore_mem>>)
      %slice3A_155 = vector.extract_strided_slice %get3A_31 {offsets = [9], sizes = [1], strides = [1]} : vector<16xi32> to vector<1xi32>
      %squeeze3A_156 = vector.extract %slice3A_155[0] : i32 from vector<1xi32>
      %mul3A_157 = arith.constant 16 : i32
      %mul3A_158 = arith.muli %add3A_27, %mul3A_157 : i32
      %add3A_159 = arith.constant 9 : i32
      %add3A_160 = arith.addi %mul3A_158, %add3A_159 : i32
      %dma_start3A_161 = arith.constant 0 : i32
      %dma_start3A_162 = tpu.memref_slice %arg9[%add3A_160, %dma_start3A_161] : memref<512x64xf32, #tpu.memory_space<vmem>> -> memref<1x64xf32, #tpu.memory_space<vmem>>
      %dma_start3A_163 = arith.constant 0 : i32
      %dma_start3A_164 = tpu.memref_slice %arg4[%squeeze3A_156, %dma_start3A_163] : memref<1000000x64xf32, #tpu.memory_space<hbm>> -> memref<1x64xf32, #tpu.memory_space<hbm>>
      %dma_start3A_165 = arith.constant 0 : i32
      %dma_start3A_166 = tpu.memref_slice %arg9[%add3A_160, %dma_start3A_165] : memref<512x64xf32, #tpu.memory_space<vmem>> -> memref<1x64xf32, #tpu.memory_space<vmem>>
      %dma_start3A_167 = arith.constant 0 : i32
      %dma_start3A_168 = tpu.memref_slice %arg4[%squeeze3A_156, %dma_start3A_167] : memref<1000000x64xf32, #tpu.memory_space<hbm>> -> memref<1x64xf32, #tpu.memory_space<hbm>>
      tpu.enqueue_dma source(%dma_start3A_168 : memref<1x64xf32, #tpu.memory_space<hbm>>) target(%dma_start3A_166 : memref<1x64xf32, #tpu.memory_space<vmem>>) target_semaphore(%arg10 : memref<!tpu.dma_semaphore, #tpu.memory_space<semaphore_mem>>)
      %slice3A_169 = vector.extract_strided_slice %get3A_31 {offsets = [10], sizes = [1], strides = [1]} : vector<16xi32> to vector<1xi32>
      %squeeze3A_170 = vector.extract %slice3A_169[0] : i32 from vector<1xi32>
      %mul3A_171 = arith.constant 16 : i32
      %mul3A_172 = arith.muli %add3A_27, %mul3A_171 : i32
      %add3A_173 = arith.constant 10 : i32
      %add3A_174 = arith.addi %mul3A_172, %add3A_173 : i32
      %dma_start3A_175 = arith.constant 0 : i32
      %dma_start3A_176 = tpu.memref_slice %arg9[%add3A_174, %dma_start3A_175] : memref<512x64xf32, #tpu.memory_space<vmem>> -> memref<1x64xf32, #tpu.memory_space<vmem>>
      %dma_start3A_177 = arith.constant 0 : i32
      %dma_start3A_178 = tpu.memref_slice %arg4[%squeeze3A_170, %dma_start3A_177] : memref<1000000x64xf32, #tpu.memory_space<hbm>> -> memref<1x64xf32, #tpu.memory_space<hbm>>
      %dma_start3A_179 = arith.constant 0 : i32
      %dma_start3A_180 = tpu.memref_slice %arg9[%add3A_174, %dma_start3A_179] : memref<512x64xf32, #tpu.memory_space<vmem>> -> memref<1x64xf32, #tpu.memory_space<vmem>>
      %dma_start3A_181 = arith.constant 0 : i32
      %dma_start3A_182 = tpu.memref_slice %arg4[%squeeze3A_170, %dma_start3A_181] : memref<1000000x64xf32, #tpu.memory_space<hbm>> -> memref<1x64xf32, #tpu.memory_space<hbm>>
      tpu.enqueue_dma source(%dma_start3A_182 : memref<1x64xf32, #tpu.memory_space<hbm>>) target(%dma_start3A_180 : memref<1x64xf32, #tpu.memory_space<vmem>>) target_semaphore(%arg10 : memref<!tpu.dma_semaphore, #tpu.memory_space<semaphore_mem>>)
      %slice3A_183 = vector.extract_strided_slice %get3A_31 {offsets = [11], sizes = [1], strides = [1]} : vector<16xi32> to vector<1xi32>
      %squeeze3A_184 = vector.extract %slice3A_183[0] : i32 from vector<1xi32>
      %mul3A_185 = arith.constant 16 : i32
      %mul3A_186 = arith.muli %add3A_27, %mul3A_185 : i32
      %add3A_187 = arith.constant 11 : i32
      %add3A_188 = arith.addi %mul3A_186, %add3A_187 : i32
      %dma_start3A_189 = arith.constant 0 : i32
      %dma_start3A_190 = tpu.memref_slice %arg9[%add3A_188, %dma_start3A_189] : memref<512x64xf32, #tpu.memory_space<vmem>> -> memref<1x64xf32, #tpu.memory_space<vmem>>
      %dma_start3A_191 = arith.constant 0 : i32
      %dma_start3A_192 = tpu.memref_slice %arg4[%squeeze3A_184, %dma_start3A_191] : memref<1000000x64xf32, #tpu.memory_space<hbm>> -> memref<1x64xf32, #tpu.memory_space<hbm>>
      %dma_start3A_193 = arith.constant 0 : i32
      %dma_start3A_194 = tpu.memref_slice %arg9[%add3A_188, %dma_start3A_193] : memref<512x64xf32, #tpu.memory_space<vmem>> -> memref<1x64xf32, #tpu.memory_space<vmem>>
      %dma_start3A_195 = arith.constant 0 : i32
      %dma_start3A_196 = tpu.memref_slice %arg4[%squeeze3A_184, %dma_start3A_195] : memref<1000000x64xf32, #tpu.memory_space<hbm>> -> memref<1x64xf32, #tpu.memory_space<hbm>>
      tpu.enqueue_dma source(%dma_start3A_196 : memref<1x64xf32, #tpu.memory_space<hbm>>) target(%dma_start3A_194 : memref<1x64xf32, #tpu.memory_space<vmem>>) target_semaphore(%arg10 : memref<!tpu.dma_semaphore, #tpu.memory_space<semaphore_mem>>)
      %slice3A_197 = vector.extract_strided_slice %get3A_31 {offsets = [12], sizes = [1], strides = [1]} : vector<16xi32> to vector<1xi32>
      %squeeze3A_198 = vector.extract %slice3A_197[0] : i32 from vector<1xi32>
      %mul3A_199 = arith.constant 16 : i32
      %mul3A_200 = arith.muli %add3A_27, %mul3A_199 : i32
      %add3A_201 = arith.constant 12 : i32
      %add3A_202 = arith.addi %mul3A_200, %add3A_201 : i32
      %dma_start3A_203 = arith.constant 0 : i32
      %dma_start3A_204 = tpu.memref_slice %arg9[%add3A_202, %dma_start3A_203] : memref<512x64xf32, #tpu.memory_space<vmem>> -> memref<1x64xf32, #tpu.memory_space<vmem>>
      %dma_start3A_205 = arith.constant 0 : i32
      %dma_start3A_206 = tpu.memref_slice %arg4[%squeeze3A_198, %dma_start3A_205] : memref<1000000x64xf32, #tpu.memory_space<hbm>> -> memref<1x64xf32, #tpu.memory_space<hbm>>
      %dma_start3A_207 = arith.constant 0 : i32
      %dma_start3A_208 = tpu.memref_slice %arg9[%add3A_202, %dma_start3A_207] : memref<512x64xf32, #tpu.memory_space<vmem>> -> memref<1x64xf32, #tpu.memory_space<vmem>>
      %dma_start3A_209 = arith.constant 0 : i32
      %dma_start3A_210 = tpu.memref_slice %arg4[%squeeze3A_198, %dma_start3A_209] : memref<1000000x64xf32, #tpu.memory_space<hbm>> -> memref<1x64xf32, #tpu.memory_space<hbm>>
      tpu.enqueue_dma source(%dma_start3A_210 : memref<1x64xf32, #tpu.memory_space<hbm>>) target(%dma_start3A_208 : memref<1x64xf32, #tpu.memory_space<vmem>>) target_semaphore(%arg10 : memref<!tpu.dma_semaphore, #tpu.memory_space<semaphore_mem>>)
      %slice3A_211 = vector.extract_strided_slice %get3A_31 {offsets = [13], sizes = [1], strides = [1]} : vector<16xi32> to vector<1xi32>
      %squeeze3A_212 = vector.extract %slice3A_211[0] : i32 from vector<1xi32>
      %mul3A_213 = arith.constant 16 : i32
      %mul3A_214 = arith.muli %add3A_27, %mul3A_213 : i32
      %add3A_215 = arith.constant 13 : i32
      %add3A_216 = arith.addi %mul3A_214, %add3A_215 : i32
      %dma_start3A_217 = arith.constant 0 : i32
      %dma_start3A_218 = tpu.memref_slice %arg9[%add3A_216, %dma_start3A_217] : memref<512x64xf32, #tpu.memory_space<vmem>> -> memref<1x64xf32, #tpu.memory_space<vmem>>
      %dma_start3A_219 = arith.constant 0 : i32
      %dma_start3A_220 = tpu.memref_slice %arg4[%squeeze3A_212, %dma_start3A_219] : memref<1000000x64xf32, #tpu.memory_space<hbm>> -> memref<1x64xf32, #tpu.memory_space<hbm>>
      %dma_start3A_221 = arith.constant 0 : i32
      %dma_start3A_222 = tpu.memref_slice %arg9[%add3A_216, %dma_start3A_221] : memref<512x64xf32, #tpu.memory_space<vmem>> -> memref<1x64xf32, #tpu.memory_space<vmem>>
      %dma_start3A_223 = arith.constant 0 : i32
      %dma_start3A_224 = tpu.memref_slice %arg4[%squeeze3A_212, %dma_start3A_223] : memref<1000000x64xf32, #tpu.memory_space<hbm>> -> memref<1x64xf32, #tpu.memory_space<hbm>>
      tpu.enqueue_dma source(%dma_start3A_224 : memref<1x64xf32, #tpu.memory_space<hbm>>) target(%dma_start3A_222 : memref<1x64xf32, #tpu.memory_space<vmem>>) target_semaphore(%arg10 : memref<!tpu.dma_semaphore, #tpu.memory_space<semaphore_mem>>)
      %slice3A_225 = vector.extract_strided_slice %get3A_31 {offsets = [14], sizes = [1], strides = [1]} : vector<16xi32> to vector<1xi32>
      %squeeze3A_226 = vector.extract %slice3A_225[0] : i32 from vector<1xi32>
      %mul3A_227 = arith.constant 16 : i32
      %mul3A_228 = arith.muli %add3A_27, %mul3A_227 : i32
      %add3A_229 = arith.constant 14 : i32
      %add3A_230 = arith.addi %mul3A_228, %add3A_229 : i32
      %dma_start3A_231 = arith.constant 0 : i32
      %dma_start3A_232 = tpu.memref_slice %arg9[%add3A_230, %dma_start3A_231] : memref<512x64xf32, #tpu.memory_space<vmem>> -> memref<1x64xf32, #tpu.memory_space<vmem>>
      %dma_start3A_233 = arith.constant 0 : i32
      %dma_start3A_234 = tpu.memref_slice %arg4[%squeeze3A_226, %dma_start3A_233] : memref<1000000x64xf32, #tpu.memory_space<hbm>> -> memref<1x64xf32, #tpu.memory_space<hbm>>
      %dma_start3A_235 = arith.constant 0 : i32
      %dma_start3A_236 = tpu.memref_slice %arg9[%add3A_230, %dma_start3A_235] : memref<512x64xf32, #tpu.memory_space<vmem>> -> memref<1x64xf32, #tpu.memory_space<vmem>>
      %dma_start3A_237 = arith.constant 0 : i32
      %dma_start3A_238 = tpu.memref_slice %arg4[%squeeze3A_226, %dma_start3A_237] : memref<1000000x64xf32, #tpu.memory_space<hbm>> -> memref<1x64xf32, #tpu.memory_space<hbm>>
      tpu.enqueue_dma source(%dma_start3A_238 : memref<1x64xf32, #tpu.memory_space<hbm>>) target(%dma_start3A_236 : memref<1x64xf32, #tpu.memory_space<vmem>>) target_semaphore(%arg10 : memref<!tpu.dma_semaphore, #tpu.memory_space<semaphore_mem>>)
      %slice3A_239 = vector.extract_strided_slice %get3A_31 {offsets = [15], sizes = [1], strides = [1]} : vector<16xi32> to vector<1xi32>
      %squeeze3A_240 = vector.extract %slice3A_239[0] : i32 from vector<1xi32>
      %mul3A_241 = arith.constant 16 : i32
      %mul3A_242 = arith.muli %add3A_27, %mul3A_241 : i32
      %add3A_243 = arith.constant 15 : i32
      %add3A_244 = arith.addi %mul3A_242, %add3A_243 : i32
      %dma_start3A_245 = arith.constant 0 : i32
      %dma_start3A_246 = tpu.memref_slice %arg9[%add3A_244, %dma_start3A_245] : memref<512x64xf32, #tpu.memory_space<vmem>> -> memref<1x64xf32, #tpu.memory_space<vmem>>
      %dma_start3A_247 = arith.constant 0 : i32
      %dma_start3A_248 = tpu.memref_slice %arg4[%squeeze3A_240, %dma_start3A_247] : memref<1000000x64xf32, #tpu.memory_space<hbm>> -> memref<1x64xf32, #tpu.memory_space<hbm>>
      %dma_start3A_249 = arith.constant 0 : i32
      %dma_start3A_250 = tpu.memref_slice %arg9[%add3A_244, %dma_start3A_249] : memref<512x64xf32, #tpu.memory_space<vmem>> -> memref<1x64xf32, #tpu.memory_space<vmem>>
      %dma_start3A_251 = arith.constant 0 : i32
      %dma_start3A_252 = tpu.memref_slice %arg4[%squeeze3A_240, %dma_start3A_251] : memref<1000000x64xf32, #tpu.memory_space<hbm>> -> memref<1x64xf32, #tpu.memory_space<hbm>>
      tpu.enqueue_dma source(%dma_start3A_252 : memref<1x64xf32, #tpu.memory_space<hbm>>) target(%dma_start3A_250 : memref<1x64xf32, #tpu.memory_space<vmem>>) target_semaphore(%arg10 : memref<!tpu.dma_semaphore, #tpu.memory_space<semaphore_mem>>)
    }
    %scan3A_6 = arith.constant 32 : i32
    %dma_wait3A = arith.constant 0 : i32
    %dma_wait3A_7 = arith.constant 0 : i32
    %dma_wait3A_8 = tpu.memref_slice %arg4[%dma_wait3A, %dma_wait3A_7] : memref<1000000x64xf32, #tpu.memory_space<hbm>> -> memref<512x64xf32, #tpu.memory_space<hbm>>
    %dma_wait3A_9 = arith.constant 0 : i32
    %dma_wait3A_10 = arith.constant 0 : i32
    %dma_wait3A_11 = tpu.memref_slice %arg4[%dma_wait3A_9, %dma_wait3A_10] : memref<1000000x64xf32, #tpu.memory_space<hbm>> -> memref<512x64xf32, #tpu.memory_space<hbm>>
    tpu.wait_dma2 semaphore(%arg10 : memref<!tpu.dma_semaphore, #tpu.memory_space<semaphore_mem>>) src(%dma_wait3A_11 : memref<512x64xf32, #tpu.memory_space<hbm>>) dst(%arg9 : memref<512x64xf32, #tpu.memory_space<vmem>>)
    "tpu.region"() ({
      %run_scoped3A = tpu.sem_alloc : memref<!tpu.dma_semaphore, #tpu.memory_space<semaphore_mem>>
      %dma_start3A = arith.constant 0 : i32
      %dma_start3A_23 = tpu.memref_slice %arg6[%mul3A_2, %dma_start3A] : memref<16384x64xf32, #tpu.memory_space<hbm>> -> memref<512x64xf32, #tpu.memory_space<hbm>>
      %dma_start3A_24 = arith.constant 0 : i32
      %dma_start3A_25 = tpu.memref_slice %arg6[%mul3A_2, %dma_start3A_24] : memref<16384x64xf32, #tpu.memory_space<hbm>> -> memref<512x64xf32, #tpu.memory_space<hbm>>
      tpu.enqueue_dma source(%arg9 : memref<512x64xf32, #tpu.memory_space<vmem>>) target(%dma_start3A_25 : memref<512x64xf32, #tpu.memory_space<hbm>>) target_semaphore(%run_scoped3A : memref<!tpu.dma_semaphore, #tpu.memory_space<semaphore_mem>>)
      %dma_wait3A_26 = arith.constant 0 : i32
      %dma_wait3A_27 = tpu.memref_slice %arg6[%mul3A_2, %dma_wait3A_26] : memref<16384x64xf32, #tpu.memory_space<hbm>> -> memref<512x64xf32, #tpu.memory_space<hbm>>
      %dma_wait3A_28 = arith.constant 0 : i32
      %dma_wait3A_29 = tpu.memref_slice %arg6[%mul3A_2, %dma_wait3A_28] : memref<16384x64xf32, #tpu.memory_space<hbm>> -> memref<512x64xf32, #tpu.memory_space<hbm>>
      tpu.wait_dma2 semaphore(%run_scoped3A : memref<!tpu.dma_semaphore, #tpu.memory_space<semaphore_mem>>) src(%arg9 : memref<512x64xf32, #tpu.memory_space<vmem>>) dst(%dma_wait3A_29 : memref<512x64xf32, #tpu.memory_space<hbm>>)
      tpu.yield
    }) : () -> ()
    "tpu.region"() ({
      %run_scoped3A = tpu.sem_alloc : memref<!tpu.dma_semaphore, #tpu.memory_space<semaphore_mem>>
      %dma_start3A = tpu.memref_slice %arg3[%mul3A_2] : memref<16384xi32, #tpu.memory_space<hbm>> -> memref<512xi32, #tpu.memory_space<hbm>>
      %dma_start3A_23 = tpu.memref_slice %arg3[%mul3A_2] : memref<16384xi32, #tpu.memory_space<hbm>> -> memref<512xi32, #tpu.memory_space<hbm>>
      tpu.enqueue_dma source(%dma_start3A_23 : memref<512xi32, #tpu.memory_space<hbm>>) target(%arg8 : memref<512xi32, #tpu.memory_space<vmem>>) target_semaphore(%run_scoped3A : memref<!tpu.dma_semaphore, #tpu.memory_space<semaphore_mem>>)
      %dma_wait3A_24 = tpu.memref_slice %arg3[%mul3A_2] : memref<16384xi32, #tpu.memory_space<hbm>> -> memref<512xi32, #tpu.memory_space<hbm>>
      %dma_wait3A_25 = tpu.memref_slice %arg3[%mul3A_2] : memref<16384xi32, #tpu.memory_space<hbm>> -> memref<512xi32, #tpu.memory_space<hbm>>
      tpu.wait_dma2 semaphore(%run_scoped3A : memref<!tpu.dma_semaphore, #tpu.memory_space<semaphore_mem>>) src(%dma_wait3A_25 : memref<512xi32, #tpu.memory_space<hbm>>) dst(%arg8 : memref<512xi32, #tpu.memory_space<vmem>>)
      tpu.yield
    }) : () -> ()
    %scan3A_12 = arith.constant 0 : i32
    %scan3A_13 = arith.constant 32 : i32
    %scan3A_14 = arith.addi %scan3A_12, %scan3A_13 : i32
    %scan3A_15 = arith.constant 1 : i32
    scf.for %scan3A_23 = %scan3A_12 to %scan3A_14 step %scan3A_15  : i32 {
      %mul3A_24 = arith.constant 1 : i32
      %mul3A_25 = arith.muli %scan3A_23, %mul3A_24 : i32
      %add3A_26 = arith.constant 0 : i32
      %add3A_27 = arith.addi %add3A_26, %mul3A_25 : i32
      %mul3A_28 = arith.constant 16 : i32
      %mul3A_29 = arith.muli %add3A_27, %mul3A_28 : i32
      %get3A = arith.index_cast %mul3A_29 : i32 to index
      %get3A_30 = tpu.vector_load %arg8[%get3A] {strides = array<i32>} : memref<512xi32, #tpu.memory_space<vmem>>, vector<16xi32>,
      %get3A_31 = vector.shape_cast %get3A_30 : vector<16xi32> to vector<16xi32>
      %slice3A = vector.extract_strided_slice %get3A_31 {offsets = [0], sizes = [1], strides = [1]} : vector<16xi32> to vector<1xi32>
      %squeeze3A = vector.extract %slice3A[0] : i32 from vector<1xi32>
      %mul3A_32 = arith.constant 16 : i32
      %mul3A_33 = arith.muli %add3A_27, %mul3A_32 : i32
      %add3A_34 = arith.constant 0 : i32
      %add3A_35 = arith.addi %mul3A_33, %add3A_34 : i32
      %dma_start3A = arith.constant 0 : i32
      %dma_start3A_36 = tpu.memref_slice %arg9[%add3A_35, %dma_start3A] : memref<512x64xf32, #tpu.memory_space<vmem>> -> memref<1x64xf32, #tpu.memory_space<vmem>>
      %dma_start3A_37 = arith.constant 0 : i32
      %dma_start3A_38 = tpu.memref_slice %arg5[%squeeze3A, %dma_start3A_37] : memref<1000000x64xf32, #tpu.memory_space<hbm>> -> memref<1x64xf32, #tpu.memory_space<hbm>>
      %dma_start3A_39 = arith.constant 0 : i32
      %dma_start3A_40 = tpu.memref_slice %arg9[%add3A_35, %dma_start3A_39] : memref<512x64xf32, #tpu.memory_space<vmem>> -> memref<1x64xf32, #tpu.memory_space<vmem>>
      %dma_start3A_41 = arith.constant 0 : i32
      %dma_start3A_42 = tpu.memref_slice %arg5[%squeeze3A, %dma_start3A_41] : memref<1000000x64xf32, #tpu.memory_space<hbm>> -> memref<1x64xf32, #tpu.memory_space<hbm>>
      tpu.enqueue_dma source(%dma_start3A_42 : memref<1x64xf32, #tpu.memory_space<hbm>>) target(%dma_start3A_40 : memref<1x64xf32, #tpu.memory_space<vmem>>) target_semaphore(%arg10 : memref<!tpu.dma_semaphore, #tpu.memory_space<semaphore_mem>>)
      %slice3A_43 = vector.extract_strided_slice %get3A_31 {offsets = [1], sizes = [1], strides = [1]} : vector<16xi32> to vector<1xi32>
      %squeeze3A_44 = vector.extract %slice3A_43[0] : i32 from vector<1xi32>
      %mul3A_45 = arith.constant 16 : i32
      %mul3A_46 = arith.muli %add3A_27, %mul3A_45 : i32
      %add3A_47 = arith.constant 1 : i32
      %add3A_48 = arith.addi %mul3A_46, %add3A_47 : i32
      %dma_start3A_49 = arith.constant 0 : i32
      %dma_start3A_50 = tpu.memref_slice %arg9[%add3A_48, %dma_start3A_49] : memref<512x64xf32, #tpu.memory_space<vmem>> -> memref<1x64xf32, #tpu.memory_space<vmem>>
      %dma_start3A_51 = arith.constant 0 : i32
      %dma_start3A_52 = tpu.memref_slice %arg5[%squeeze3A_44, %dma_start3A_51] : memref<1000000x64xf32, #tpu.memory_space<hbm>> -> memref<1x64xf32, #tpu.memory_space<hbm>>
      %dma_start3A_53 = arith.constant 0 : i32
      %dma_start3A_54 = tpu.memref_slice %arg9[%add3A_48, %dma_start3A_53] : memref<512x64xf32, #tpu.memory_space<vmem>> -> memref<1x64xf32, #tpu.memory_space<vmem>>
      %dma_start3A_55 = arith.constant 0 : i32
      %dma_start3A_56 = tpu.memref_slice %arg5[%squeeze3A_44, %dma_start3A_55] : memref<1000000x64xf32, #tpu.memory_space<hbm>> -> memref<1x64xf32, #tpu.memory_space<hbm>>
      tpu.enqueue_dma source(%dma_start3A_56 : memref<1x64xf32, #tpu.memory_space<hbm>>) target(%dma_start3A_54 : memref<1x64xf32, #tpu.memory_space<vmem>>) target_semaphore(%arg10 : memref<!tpu.dma_semaphore, #tpu.memory_space<semaphore_mem>>)
      %slice3A_57 = vector.extract_strided_slice %get3A_31 {offsets = [2], sizes = [1], strides = [1]} : vector<16xi32> to vector<1xi32>
      %squeeze3A_58 = vector.extract %slice3A_57[0] : i32 from vector<1xi32>
      %mul3A_59 = arith.constant 16 : i32
      %mul3A_60 = arith.muli %add3A_27, %mul3A_59 : i32
      %add3A_61 = arith.constant 2 : i32
      %add3A_62 = arith.addi %mul3A_60, %add3A_61 : i32
      %dma_start3A_63 = arith.constant 0 : i32
      %dma_start3A_64 = tpu.memref_slice %arg9[%add3A_62, %dma_start3A_63] : memref<512x64xf32, #tpu.memory_space<vmem>> -> memref<1x64xf32, #tpu.memory_space<vmem>>
      %dma_start3A_65 = arith.constant 0 : i32
      %dma_start3A_66 = tpu.memref_slice %arg5[%squeeze3A_58, %dma_start3A_65] : memref<1000000x64xf32, #tpu.memory_space<hbm>> -> memref<1x64xf32, #tpu.memory_space<hbm>>
      %dma_start3A_67 = arith.constant 0 : i32
      %dma_start3A_68 = tpu.memref_slice %arg9[%add3A_62, %dma_start3A_67] : memref<512x64xf32, #tpu.memory_space<vmem>> -> memref<1x64xf32, #tpu.memory_space<vmem>>
      %dma_start3A_69 = arith.constant 0 : i32
      %dma_start3A_70 = tpu.memref_slice %arg5[%squeeze3A_58, %dma_start3A_69] : memref<1000000x64xf32, #tpu.memory_space<hbm>> -> memref<1x64xf32, #tpu.memory_space<hbm>>
      tpu.enqueue_dma source(%dma_start3A_70 : memref<1x64xf32, #tpu.memory_space<hbm>>) target(%dma_start3A_68 : memref<1x64xf32, #tpu.memory_space<vmem>>) target_semaphore(%arg10 : memref<!tpu.dma_semaphore, #tpu.memory_space<semaphore_mem>>)
      %slice3A_71 = vector.extract_strided_slice %get3A_31 {offsets = [3], sizes = [1], strides = [1]} : vector<16xi32> to vector<1xi32>
      %squeeze3A_72 = vector.extract %slice3A_71[0] : i32 from vector<1xi32>
      %mul3A_73 = arith.constant 16 : i32
      %mul3A_74 = arith.muli %add3A_27, %mul3A_73 : i32
      %add3A_75 = arith.constant 3 : i32
      %add3A_76 = arith.addi %mul3A_74, %add3A_75 : i32
      %dma_start3A_77 = arith.constant 0 : i32
      %dma_start3A_78 = tpu.memref_slice %arg9[%add3A_76, %dma_start3A_77] : memref<512x64xf32, #tpu.memory_space<vmem>> -> memref<1x64xf32, #tpu.memory_space<vmem>>
      %dma_start3A_79 = arith.constant 0 : i32
      %dma_start3A_80 = tpu.memref_slice %arg5[%squeeze3A_72, %dma_start3A_79] : memref<1000000x64xf32, #tpu.memory_space<hbm>> -> memref<1x64xf32, #tpu.memory_space<hbm>>
      %dma_start3A_81 = arith.constant 0 : i32
      %dma_start3A_82 = tpu.memref_slice %arg9[%add3A_76, %dma_start3A_81] : memref<512x64xf32, #tpu.memory_space<vmem>> -> memref<1x64xf32, #tpu.memory_space<vmem>>
      %dma_start3A_83 = arith.constant 0 : i32
      %dma_start3A_84 = tpu.memref_slice %arg5[%squeeze3A_72, %dma_start3A_83] : memref<1000000x64xf32, #tpu.memory_space<hbm>> -> memref<1x64xf32, #tpu.memory_space<hbm>>
      tpu.enqueue_dma source(%dma_start3A_84 : memref<1x64xf32, #tpu.memory_space<hbm>>) target(%dma_start3A_82 : memref<1x64xf32, #tpu.memory_space<vmem>>) target_semaphore(%arg10 : memref<!tpu.dma_semaphore, #tpu.memory_space<semaphore_mem>>)
      %slice3A_85 = vector.extract_strided_slice %get3A_31 {offsets = [4], sizes = [1], strides = [1]} : vector<16xi32> to vector<1xi32>
      %squeeze3A_86 = vector.extract %slice3A_85[0] : i32 from vector<1xi32>
      %mul3A_87 = arith.constant 16 : i32
      %mul3A_88 = arith.muli %add3A_27, %mul3A_87 : i32
      %add3A_89 = arith.constant 4 : i32
      %add3A_90 = arith.addi %mul3A_88, %add3A_89 : i32
      %dma_start3A_91 = arith.constant 0 : i32
      %dma_start3A_92 = tpu.memref_slice %arg9[%add3A_90, %dma_start3A_91] : memref<512x64xf32, #tpu.memory_space<vmem>> -> memref<1x64xf32, #tpu.memory_space<vmem>>
      %dma_start3A_93 = arith.constant 0 : i32
      %dma_start3A_94 = tpu.memref_slice %arg5[%squeeze3A_86, %dma_start3A_93] : memref<1000000x64xf32, #tpu.memory_space<hbm>> -> memref<1x64xf32, #tpu.memory_space<hbm>>
      %dma_start3A_95 = arith.constant 0 : i32
      %dma_start3A_96 = tpu.memref_slice %arg9[%add3A_90, %dma_start3A_95] : memref<512x64xf32, #tpu.memory_space<vmem>> -> memref<1x64xf32, #tpu.memory_space<vmem>>
      %dma_start3A_97 = arith.constant 0 : i32
      %dma_start3A_98 = tpu.memref_slice %arg5[%squeeze3A_86, %dma_start3A_97] : memref<1000000x64xf32, #tpu.memory_space<hbm>> -> memref<1x64xf32, #tpu.memory_space<hbm>>
      tpu.enqueue_dma source(%dma_start3A_98 : memref<1x64xf32, #tpu.memory_space<hbm>>) target(%dma_start3A_96 : memref<1x64xf32, #tpu.memory_space<vmem>>) target_semaphore(%arg10 : memref<!tpu.dma_semaphore, #tpu.memory_space<semaphore_mem>>)
      %slice3A_99 = vector.extract_strided_slice %get3A_31 {offsets = [5], sizes = [1], strides = [1]} : vector<16xi32> to vector<1xi32>
      %squeeze3A_100 = vector.extract %slice3A_99[0] : i32 from vector<1xi32>
      %mul3A_101 = arith.constant 16 : i32
      %mul3A_102 = arith.muli %add3A_27, %mul3A_101 : i32
      %add3A_103 = arith.constant 5 : i32
      %add3A_104 = arith.addi %mul3A_102, %add3A_103 : i32
      %dma_start3A_105 = arith.constant 0 : i32
      %dma_start3A_106 = tpu.memref_slice %arg9[%add3A_104, %dma_start3A_105] : memref<512x64xf32, #tpu.memory_space<vmem>> -> memref<1x64xf32, #tpu.memory_space<vmem>>
      %dma_start3A_107 = arith.constant 0 : i32
      %dma_start3A_108 = tpu.memref_slice %arg5[%squeeze3A_100, %dma_start3A_107] : memref<1000000x64xf32, #tpu.memory_space<hbm>> -> memref<1x64xf32, #tpu.memory_space<hbm>>
      %dma_start3A_109 = arith.constant 0 : i32
      %dma_start3A_110 = tpu.memref_slice %arg9[%add3A_104, %dma_start3A_109] : memref<512x64xf32, #tpu.memory_space<vmem>> -> memref<1x64xf32, #tpu.memory_space<vmem>>
      %dma_start3A_111 = arith.constant 0 : i32
      %dma_start3A_112 = tpu.memref_slice %arg5[%squeeze3A_100, %dma_start3A_111] : memref<1000000x64xf32, #tpu.memory_space<hbm>> -> memref<1x64xf32, #tpu.memory_space<hbm>>
      tpu.enqueue_dma source(%dma_start3A_112 : memref<1x64xf32, #tpu.memory_space<hbm>>) target(%dma_start3A_110 : memref<1x64xf32, #tpu.memory_space<vmem>>) target_semaphore(%arg10 : memref<!tpu.dma_semaphore, #tpu.memory_space<semaphore_mem>>)
      %slice3A_113 = vector.extract_strided_slice %get3A_31 {offsets = [6], sizes = [1], strides = [1]} : vector<16xi32> to vector<1xi32>
      %squeeze3A_114 = vector.extract %slice3A_113[0] : i32 from vector<1xi32>
      %mul3A_115 = arith.constant 16 : i32
      %mul3A_116 = arith.muli %add3A_27, %mul3A_115 : i32
      %add3A_117 = arith.constant 6 : i32
      %add3A_118 = arith.addi %mul3A_116, %add3A_117 : i32
      %dma_start3A_119 = arith.constant 0 : i32
      %dma_start3A_120 = tpu.memref_slice %arg9[%add3A_118, %dma_start3A_119] : memref<512x64xf32, #tpu.memory_space<vmem>> -> memref<1x64xf32, #tpu.memory_space<vmem>>
      %dma_start3A_121 = arith.constant 0 : i32
      %dma_start3A_122 = tpu.memref_slice %arg5[%squeeze3A_114, %dma_start3A_121] : memref<1000000x64xf32, #tpu.memory_space<hbm>> -> memref<1x64xf32, #tpu.memory_space<hbm>>
      %dma_start3A_123 = arith.constant 0 : i32
      %dma_start3A_124 = tpu.memref_slice %arg9[%add3A_118, %dma_start3A_123] : memref<512x64xf32, #tpu.memory_space<vmem>> -> memref<1x64xf32, #tpu.memory_space<vmem>>
      %dma_start3A_125 = arith.constant 0 : i32
      %dma_start3A_126 = tpu.memref_slice %arg5[%squeeze3A_114, %dma_start3A_125] : memref<1000000x64xf32, #tpu.memory_space<hbm>> -> memref<1x64xf32, #tpu.memory_space<hbm>>
      tpu.enqueue_dma source(%dma_start3A_126 : memref<1x64xf32, #tpu.memory_space<hbm>>) target(%dma_start3A_124 : memref<1x64xf32, #tpu.memory_space<vmem>>) target_semaphore(%arg10 : memref<!tpu.dma_semaphore, #tpu.memory_space<semaphore_mem>>)
      %slice3A_127 = vector.extract_strided_slice %get3A_31 {offsets = [7], sizes = [1], strides = [1]} : vector<16xi32> to vector<1xi32>
      %squeeze3A_128 = vector.extract %slice3A_127[0] : i32 from vector<1xi32>
      %mul3A_129 = arith.constant 16 : i32
      %mul3A_130 = arith.muli %add3A_27, %mul3A_129 : i32
      %add3A_131 = arith.constant 7 : i32
      %add3A_132 = arith.addi %mul3A_130, %add3A_131 : i32
      %dma_start3A_133 = arith.constant 0 : i32
      %dma_start3A_134 = tpu.memref_slice %arg9[%add3A_132, %dma_start3A_133] : memref<512x64xf32, #tpu.memory_space<vmem>> -> memref<1x64xf32, #tpu.memory_space<vmem>>
      %dma_start3A_135 = arith.constant 0 : i32
      %dma_start3A_136 = tpu.memref_slice %arg5[%squeeze3A_128, %dma_start3A_135] : memref<1000000x64xf32, #tpu.memory_space<hbm>> -> memref<1x64xf32, #tpu.memory_space<hbm>>
      %dma_start3A_137 = arith.constant 0 : i32
      %dma_start3A_138 = tpu.memref_slice %arg9[%add3A_132, %dma_start3A_137] : memref<512x64xf32, #tpu.memory_space<vmem>> -> memref<1x64xf32, #tpu.memory_space<vmem>>
      %dma_start3A_139 = arith.constant 0 : i32
      %dma_start3A_140 = tpu.memref_slice %arg5[%squeeze3A_128, %dma_start3A_139] : memref<1000000x64xf32, #tpu.memory_space<hbm>> -> memref<1x64xf32, #tpu.memory_space<hbm>>
      tpu.enqueue_dma source(%dma_start3A_140 : memref<1x64xf32, #tpu.memory_space<hbm>>) target(%dma_start3A_138 : memref<1x64xf32, #tpu.memory_space<vmem>>) target_semaphore(%arg10 : memref<!tpu.dma_semaphore, #tpu.memory_space<semaphore_mem>>)
      %slice3A_141 = vector.extract_strided_slice %get3A_31 {offsets = [8], sizes = [1], strides = [1]} : vector<16xi32> to vector<1xi32>
      %squeeze3A_142 = vector.extract %slice3A_141[0] : i32 from vector<1xi32>
      %mul3A_143 = arith.constant 16 : i32
      %mul3A_144 = arith.muli %add3A_27, %mul3A_143 : i32
      %add3A_145 = arith.constant 8 : i32
      %add3A_146 = arith.addi %mul3A_144, %add3A_145 : i32
      %dma_start3A_147 = arith.constant 0 : i32
      %dma_start3A_148 = tpu.memref_slice %arg9[%add3A_146, %dma_start3A_147] : memref<512x64xf32, #tpu.memory_space<vmem>> -> memref<1x64xf32, #tpu.memory_space<vmem>>
      %dma_start3A_149 = arith.constant 0 : i32
      %dma_start3A_150 = tpu.memref_slice %arg5[%squeeze3A_142, %dma_start3A_149] : memref<1000000x64xf32, #tpu.memory_space<hbm>> -> memref<1x64xf32, #tpu.memory_space<hbm>>
      %dma_start3A_151 = arith.constant 0 : i32
      %dma_start3A_152 = tpu.memref_slice %arg9[%add3A_146, %dma_start3A_151] : memref<512x64xf32, #tpu.memory_space<vmem>> -> memref<1x64xf32, #tpu.memory_space<vmem>>
      %dma_start3A_153 = arith.constant 0 : i32
      %dma_start3A_154 = tpu.memref_slice %arg5[%squeeze3A_142, %dma_start3A_153] : memref<1000000x64xf32, #tpu.memory_space<hbm>> -> memref<1x64xf32, #tpu.memory_space<hbm>>
      tpu.enqueue_dma source(%dma_start3A_154 : memref<1x64xf32, #tpu.memory_space<hbm>>) target(%dma_start3A_152 : memref<1x64xf32, #tpu.memory_space<vmem>>) target_semaphore(%arg10 : memref<!tpu.dma_semaphore, #tpu.memory_space<semaphore_mem>>)
      %slice3A_155 = vector.extract_strided_slice %get3A_31 {offsets = [9], sizes = [1], strides = [1]} : vector<16xi32> to vector<1xi32>
      %squeeze3A_156 = vector.extract %slice3A_155[0] : i32 from vector<1xi32>
      %mul3A_157 = arith.constant 16 : i32
      %mul3A_158 = arith.muli %add3A_27, %mul3A_157 : i32
      %add3A_159 = arith.constant 9 : i32
      %add3A_160 = arith.addi %mul3A_158, %add3A_159 : i32
      %dma_start3A_161 = arith.constant 0 : i32
      %dma_start3A_162 = tpu.memref_slice %arg9[%add3A_160, %dma_start3A_161] : memref<512x64xf32, #tpu.memory_space<vmem>> -> memref<1x64xf32, #tpu.memory_space<vmem>>
      %dma_start3A_163 = arith.constant 0 : i32
      %dma_start3A_164 = tpu.memref_slice %arg5[%squeeze3A_156, %dma_start3A_163] : memref<1000000x64xf32, #tpu.memory_space<hbm>> -> memref<1x64xf32, #tpu.memory_space<hbm>>
      %dma_start3A_165 = arith.constant 0 : i32
      %dma_start3A_166 = tpu.memref_slice %arg9[%add3A_160, %dma_start3A_165] : memref<512x64xf32, #tpu.memory_space<vmem>> -> memref<1x64xf32, #tpu.memory_space<vmem>>
      %dma_start3A_167 = arith.constant 0 : i32
      %dma_start3A_168 = tpu.memref_slice %arg5[%squeeze3A_156, %dma_start3A_167] : memref<1000000x64xf32, #tpu.memory_space<hbm>> -> memref<1x64xf32, #tpu.memory_space<hbm>>
      tpu.enqueue_dma source(%dma_start3A_168 : memref<1x64xf32, #tpu.memory_space<hbm>>) target(%dma_start3A_166 : memref<1x64xf32, #tpu.memory_space<vmem>>) target_semaphore(%arg10 : memref<!tpu.dma_semaphore, #tpu.memory_space<semaphore_mem>>)
      %slice3A_169 = vector.extract_strided_slice %get3A_31 {offsets = [10], sizes = [1], strides = [1]} : vector<16xi32> to vector<1xi32>
      %squeeze3A_170 = vector.extract %slice3A_169[0] : i32 from vector<1xi32>
      %mul3A_171 = arith.constant 16 : i32
      %mul3A_172 = arith.muli %add3A_27, %mul3A_171 : i32
      %add3A_173 = arith.constant 10 : i32
      %add3A_174 = arith.addi %mul3A_172, %add3A_173 : i32
      %dma_start3A_175 = arith.constant 0 : i32
      %dma_start3A_176 = tpu.memref_slice %arg9[%add3A_174, %dma_start3A_175] : memref<512x64xf32, #tpu.memory_space<vmem>> -> memref<1x64xf32, #tpu.memory_space<vmem>>
      %dma_start3A_177 = arith.constant 0 : i32
      %dma_start3A_178 = tpu.memref_slice %arg5[%squeeze3A_170, %dma_start3A_177] : memref<1000000x64xf32, #tpu.memory_space<hbm>> -> memref<1x64xf32, #tpu.memory_space<hbm>>
      %dma_start3A_179 = arith.constant 0 : i32
      %dma_start3A_180 = tpu.memref_slice %arg9[%add3A_174, %dma_start3A_179] : memref<512x64xf32, #tpu.memory_space<vmem>> -> memref<1x64xf32, #tpu.memory_space<vmem>>
      %dma_start3A_181 = arith.constant 0 : i32
      %dma_start3A_182 = tpu.memref_slice %arg5[%squeeze3A_170, %dma_start3A_181] : memref<1000000x64xf32, #tpu.memory_space<hbm>> -> memref<1x64xf32, #tpu.memory_space<hbm>>
      tpu.enqueue_dma source(%dma_start3A_182 : memref<1x64xf32, #tpu.memory_space<hbm>>) target(%dma_start3A_180 : memref<1x64xf32, #tpu.memory_space<vmem>>) target_semaphore(%arg10 : memref<!tpu.dma_semaphore, #tpu.memory_space<semaphore_mem>>)
      %slice3A_183 = vector.extract_strided_slice %get3A_31 {offsets = [11], sizes = [1], strides = [1]} : vector<16xi32> to vector<1xi32>
      %squeeze3A_184 = vector.extract %slice3A_183[0] : i32 from vector<1xi32>
      %mul3A_185 = arith.constant 16 : i32
      %mul3A_186 = arith.muli %add3A_27, %mul3A_185 : i32
      %add3A_187 = arith.constant 11 : i32
      %add3A_188 = arith.addi %mul3A_186, %add3A_187 : i32
      %dma_start3A_189 = arith.constant 0 : i32
      %dma_start3A_190 = tpu.memref_slice %arg9[%add3A_188, %dma_start3A_189] : memref<512x64xf32, #tpu.memory_space<vmem>> -> memref<1x64xf32, #tpu.memory_space<vmem>>
      %dma_start3A_191 = arith.constant 0 : i32
      %dma_start3A_192 = tpu.memref_slice %arg5[%squeeze3A_184, %dma_start3A_191] : memref<1000000x64xf32, #tpu.memory_space<hbm>> -> memref<1x64xf32, #tpu.memory_space<hbm>>
      %dma_start3A_193 = arith.constant 0 : i32
      %dma_start3A_194 = tpu.memref_slice %arg9[%add3A_188, %dma_start3A_193] : memref<512x64xf32, #tpu.memory_space<vmem>> -> memref<1x64xf32, #tpu.memory_space<vmem>>
      %dma_start3A_195 = arith.constant 0 : i32
      %dma_start3A_196 = tpu.memref_slice %arg5[%squeeze3A_184, %dma_start3A_195] : memref<1000000x64xf32, #tpu.memory_space<hbm>> -> memref<1x64xf32, #tpu.memory_space<hbm>>
      tpu.enqueue_dma source(%dma_start3A_196 : memref<1x64xf32, #tpu.memory_space<hbm>>) target(%dma_start3A_194 : memref<1x64xf32, #tpu.memory_space<vmem>>) target_semaphore(%arg10 : memref<!tpu.dma_semaphore, #tpu.memory_space<semaphore_mem>>)
      %slice3A_197 = vector.extract_strided_slice %get3A_31 {offsets = [12], sizes = [1], strides = [1]} : vector<16xi32> to vector<1xi32>
      %squeeze3A_198 = vector.extract %slice3A_197[0] : i32 from vector<1xi32>
      %mul3A_199 = arith.constant 16 : i32
      %mul3A_200 = arith.muli %add3A_27, %mul3A_199 : i32
      %add3A_201 = arith.constant 12 : i32
      %add3A_202 = arith.addi %mul3A_200, %add3A_201 : i32
      %dma_start3A_203 = arith.constant 0 : i32
      %dma_start3A_204 = tpu.memref_slice %arg9[%add3A_202, %dma_start3A_203] : memref<512x64xf32, #tpu.memory_space<vmem>> -> memref<1x64xf32, #tpu.memory_space<vmem>>
      %dma_start3A_205 = arith.constant 0 : i32
      %dma_start3A_206 = tpu.memref_slice %arg5[%squeeze3A_198, %dma_start3A_205] : memref<1000000x64xf32, #tpu.memory_space<hbm>> -> memref<1x64xf32, #tpu.memory_space<hbm>>
      %dma_start3A_207 = arith.constant 0 : i32
      %dma_start3A_208 = tpu.memref_slice %arg9[%add3A_202, %dma_start3A_207] : memref<512x64xf32, #tpu.memory_space<vmem>> -> memref<1x64xf32, #tpu.memory_space<vmem>>
      %dma_start3A_209 = arith.constant 0 : i32
      %dma_start3A_210 = tpu.memref_slice %arg5[%squeeze3A_198, %dma_start3A_209] : memref<1000000x64xf32, #tpu.memory_space<hbm>> -> memref<1x64xf32, #tpu.memory_space<hbm>>
      tpu.enqueue_dma source(%dma_start3A_210 : memref<1x64xf32, #tpu.memory_space<hbm>>) target(%dma_start3A_208 : memref<1x64xf32, #tpu.memory_space<vmem>>) target_semaphore(%arg10 : memref<!tpu.dma_semaphore, #tpu.memory_space<semaphore_mem>>)
      %slice3A_211 = vector.extract_strided_slice %get3A_31 {offsets = [13], sizes = [1], strides = [1]} : vector<16xi32> to vector<1xi32>
      %squeeze3A_212 = vector.extract %slice3A_211[0] : i32 from vector<1xi32>
      %mul3A_213 = arith.constant 16 : i32
      %mul3A_214 = arith.muli %add3A_27, %mul3A_213 : i32
      %add3A_215 = arith.constant 13 : i32
      %add3A_216 = arith.addi %mul3A_214, %add3A_215 : i32
      %dma_start3A_217 = arith.constant 0 : i32
      %dma_start3A_218 = tpu.memref_slice %arg9[%add3A_216, %dma_start3A_217] : memref<512x64xf32, #tpu.memory_space<vmem>> -> memref<1x64xf32, #tpu.memory_space<vmem>>
      %dma_start3A_219 = arith.constant 0 : i32
      %dma_start3A_220 = tpu.memref_slice %arg5[%squeeze3A_212, %dma_start3A_219] : memref<1000000x64xf32, #tpu.memory_space<hbm>> -> memref<1x64xf32, #tpu.memory_space<hbm>>
      %dma_start3A_221 = arith.constant 0 : i32
      %dma_start3A_222 = tpu.memref_slice %arg9[%add3A_216, %dma_start3A_221] : memref<512x64xf32, #tpu.memory_space<vmem>> -> memref<1x64xf32, #tpu.memory_space<vmem>>
      %dma_start3A_223 = arith.constant 0 : i32
      %dma_start3A_224 = tpu.memref_slice %arg5[%squeeze3A_212, %dma_start3A_223] : memref<1000000x64xf32, #tpu.memory_space<hbm>> -> memref<1x64xf32, #tpu.memory_space<hbm>>
      tpu.enqueue_dma source(%dma_start3A_224 : memref<1x64xf32, #tpu.memory_space<hbm>>) target(%dma_start3A_222 : memref<1x64xf32, #tpu.memory_space<vmem>>) target_semaphore(%arg10 : memref<!tpu.dma_semaphore, #tpu.memory_space<semaphore_mem>>)
      %slice3A_225 = vector.extract_strided_slice %get3A_31 {offsets = [14], sizes = [1], strides = [1]} : vector<16xi32> to vector<1xi32>
      %squeeze3A_226 = vector.extract %slice3A_225[0] : i32 from vector<1xi32>
      %mul3A_227 = arith.constant 16 : i32
      %mul3A_228 = arith.muli %add3A_27, %mul3A_227 : i32
      %add3A_229 = arith.constant 14 : i32
      %add3A_230 = arith.addi %mul3A_228, %add3A_229 : i32
      %dma_start3A_231 = arith.constant 0 : i32
      %dma_start3A_232 = tpu.memref_slice %arg9[%add3A_230, %dma_start3A_231] : memref<512x64xf32, #tpu.memory_space<vmem>> -> memref<1x64xf32, #tpu.memory_space<vmem>>
      %dma_start3A_233 = arith.constant 0 : i32
      %dma_start3A_234 = tpu.memref_slice %arg5[%squeeze3A_226, %dma_start3A_233] : memref<1000000x64xf32, #tpu.memory_space<hbm>> -> memref<1x64xf32, #tpu.memory_space<hbm>>
      %dma_start3A_235 = arith.constant 0 : i32
      %dma_start3A_236 = tpu.memref_slice %arg9[%add3A_230, %dma_start3A_235] : memref<512x64xf32, #tpu.memory_space<vmem>> -> memref<1x64xf32, #tpu.memory_space<vmem>>
      %dma_start3A_237 = arith.constant 0 : i32
      %dma_start3A_238 = tpu.memref_slice %arg5[%squeeze3A_226, %dma_start3A_237] : memref<1000000x64xf32, #tpu.memory_space<hbm>> -> memref<1x64xf32, #tpu.memory_space<hbm>>
      tpu.enqueue_dma source(%dma_start3A_238 : memref<1x64xf32, #tpu.memory_space<hbm>>) target(%dma_start3A_236 : memref<1x64xf32, #tpu.memory_space<vmem>>) target_semaphore(%arg10 : memref<!tpu.dma_semaphore, #tpu.memory_space<semaphore_mem>>)
      %slice3A_239 = vector.extract_strided_slice %get3A_31 {offsets = [15], sizes = [1], strides = [1]} : vector<16xi32> to vector<1xi32>
      %squeeze3A_240 = vector.extract %slice3A_239[0] : i32 from vector<1xi32>
      %mul3A_241 = arith.constant 16 : i32
      %mul3A_242 = arith.muli %add3A_27, %mul3A_241 : i32
      %add3A_243 = arith.constant 15 : i32
      %add3A_244 = arith.addi %mul3A_242, %add3A_243 : i32
      %dma_start3A_245 = arith.constant 0 : i32
      %dma_start3A_246 = tpu.memref_slice %arg9[%add3A_244, %dma_start3A_245] : memref<512x64xf32, #tpu.memory_space<vmem>> -> memref<1x64xf32, #tpu.memory_space<vmem>>
      %dma_start3A_247 = arith.constant 0 : i32
      %dma_start3A_248 = tpu.memref_slice %arg5[%squeeze3A_240, %dma_start3A_247] : memref<1000000x64xf32, #tpu.memory_space<hbm>> -> memref<1x64xf32, #tpu.memory_space<hbm>>
      %dma_start3A_249 = arith.constant 0 : i32
      %dma_start3A_250 = tpu.memref_slice %arg9[%add3A_244, %dma_start3A_249] : memref<512x64xf32, #tpu.memory_space<vmem>> -> memref<1x64xf32, #tpu.memory_space<vmem>>
      %dma_start3A_251 = arith.constant 0 : i32
      %dma_start3A_252 = tpu.memref_slice %arg5[%squeeze3A_240, %dma_start3A_251] : memref<1000000x64xf32, #tpu.memory_space<hbm>> -> memref<1x64xf32, #tpu.memory_space<hbm>>
      tpu.enqueue_dma source(%dma_start3A_252 : memref<1x64xf32, #tpu.memory_space<hbm>>) target(%dma_start3A_250 : memref<1x64xf32, #tpu.memory_space<vmem>>) target_semaphore(%arg10 : memref<!tpu.dma_semaphore, #tpu.memory_space<semaphore_mem>>)
    }
    %scan3A_16 = arith.constant 32 : i32
    %dma_wait3A_17 = arith.constant 0 : i32
    %dma_wait3A_18 = arith.constant 0 : i32
    %dma_wait3A_19 = tpu.memref_slice %arg5[%dma_wait3A_17, %dma_wait3A_18] : memref<1000000x64xf32, #tpu.memory_space<hbm>> -> memref<512x64xf32, #tpu.memory_space<hbm>>
    %dma_wait3A_20 = arith.constant 0 : i32
    %dma_wait3A_21 = arith.constant 0 : i32
    %dma_wait3A_22 = tpu.memref_slice %arg5[%dma_wait3A_20, %dma_wait3A_21] : memref<1000000x64xf32, #tpu.memory_space<hbm>> -> memref<512x64xf32, #tpu.memory_space<hbm>>
    tpu.wait_dma2 semaphore(%arg10 : memref<!tpu.dma_semaphore, #tpu.memory_space<semaphore_mem>>) src(%dma_wait3A_22 : memref<512x64xf32, #tpu.memory_space<hbm>>) dst(%arg9 : memref<512x64xf32, #tpu.memory_space<vmem>>)
    "tpu.region"() ({
      %run_scoped3A = tpu.sem_alloc : memref<!tpu.dma_semaphore, #tpu.memory_space<semaphore_mem>>
      %dma_start3A = arith.constant 0 : i32
      %dma_start3A_23 = tpu.memref_slice %arg7[%mul3A_2, %dma_start3A] : memref<16384x64xf32, #tpu.memory_space<hbm>> -> memref<512x64xf32, #tpu.memory_space<hbm>>
      %dma_start3A_24 = arith.constant 0 : i32
      %dma_start3A_25 = tpu.memref_slice %arg7[%mul3A_2, %dma_start3A_24] : memref<16384x64xf32, #tpu.memory_space<hbm>> -> memref<512x64xf32, #tpu.memory_space<hbm>>
      tpu.enqueue_dma source(%arg9 : memref<512x64xf32, #tpu.memory_space<vmem>>) target(%dma_start3A_25 : memref<512x64xf32, #tpu.memory_space<hbm>>) target_semaphore(%run_scoped3A : memref<!tpu.dma_semaphore, #tpu.memory_space<semaphore_mem>>)
      %dma_wait3A_26 = arith.constant 0 : i32
      %dma_wait3A_27 = tpu.memref_slice %arg7[%mul3A_2, %dma_wait3A_26] : memref<16384x64xf32, #tpu.memory_space<hbm>> -> memref<512x64xf32, #tpu.memory_space<hbm>>
      %dma_wait3A_28 = arith.constant 0 : i32
      %dma_wait3A_29 = tpu.memref_slice %arg7[%mul3A_2, %dma_wait3A_28] : memref<16384x64xf32, #tpu.memory_space<hbm>> -> memref<512x64xf32, #tpu.memory_space<hbm>>
      tpu.wait_dma2 semaphore(%run_scoped3A : memref<!tpu.dma_semaphore, #tpu.memory_space<semaphore_mem>>) src(%arg9 : memref<512x64xf32, #tpu.memory_space<vmem>>) dst(%dma_wait3A_29 : memref<512x64xf32, #tpu.memory_space<hbm>>)
      tpu.yield
    }) : () -> ()
    return
  }
}

module attributes {stable_mosaic.version = 14 : i64} {
  func.func @_mlp_body(%arg0: i32, %arg1: memref<512x64xf32, #tpu.memory_space<vmem>>, %arg2: memref<512x64xf32, #tpu.memory_space<vmem>>, %arg3: memref<512x128xf32, #tpu.memory_space<vmem>>, %arg4: memref<64x128xf32, #tpu.memory_space<vmem>>, %arg5: memref<64x128xf32, #tpu.memory_space<vmem>>, %arg6: memref<128x128xf32, #tpu.memory_space<vmem>>, %arg7: memref<1x128xf32, #tpu.memory_space<vmem>>, %arg8: memref<128x128xf32, #tpu.memory_space<vmem>>, %arg9: memref<1x128xf32, #tpu.memory_space<vmem>>, %arg10: memref<1x128xf32, #tpu.memory_space<vmem>>, %arg11: memref<1x1xf32, #tpu.memory_space<vmem>>, %arg12: memref<512x1xf32, #tpu.memory_space<vmem>>) attributes {dimension_semantics = [#tpu.dimension_semantics<arbitrary>], iteration_bounds = array<i64: 32>, scalar_prefetch = 0 : i64, scratch_operands = 0 : i64, tpu.core_type = #tpu.core_type<tc>, window_params = [{transform_indices = @transform_0, window_bounds = array<i64: 512, 64>}, {transform_indices = @transform_1, window_bounds = array<i64: 512, 64>}, {transform_indices = @transform_2, window_bounds = array<i64: 512, 128>}, {pipeline_mode = #tpu.pipeline_mode<synchronous>, transform_indices = @transform_3, window_bounds = array<i64: 64, 128>}, {pipeline_mode = #tpu.pipeline_mode<synchronous>, transform_indices = @transform_4, window_bounds = array<i64: 64, 128>}, {pipeline_mode = #tpu.pipeline_mode<synchronous>, transform_indices = @transform_5, window_bounds = array<i64: 128, 128>}, {pipeline_mode = #tpu.pipeline_mode<synchronous>, transform_indices = @transform_6, window_bounds = array<i64: 1, 128>}, {pipeline_mode = #tpu.pipeline_mode<synchronous>, transform_indices = @transform_7, window_bounds = array<i64: 128, 128>}, {pipeline_mode = #tpu.pipeline_mode<synchronous>, transform_indices = @transform_8, window_bounds = array<i64: 1, 128>}, {pipeline_mode = #tpu.pipeline_mode<synchronous>, transform_indices = @transform_9, window_bounds = array<i64: 1, 128>}, {pipeline_mode = #tpu.pipeline_mode<synchronous>, transform_indices = @transform_10, window_bounds = array<i64: 1, 1>}, {transform_indices = @transform_11, window_bounds = array<i64: 512, 1>}]} {
    %get3A = arith.constant 0 : index
    %get3A_0 = arith.constant 0 : index
    %get3A_1 = vector.load %arg1[%get3A, %get3A_0] : memref<512x64xf32, #tpu.memory_space<vmem>>, vector<512x64xf32>
    %get3A_2 = arith.constant 0 : index
    %get3A_3 = arith.constant 0 : index
    %get3A_4 = vector.load %arg4[%get3A_2, %get3A_3] : memref<64x128xf32, #tpu.memory_space<vmem>>, vector<64x128xf32>
    %dot_general3A = arith.constant dense<0.000000e+00> : vector<512x128xf32>
    %dot_general3A_5 = tpu.matmul %get3A_1, %get3A_4, %dot_general3A {dimension_numbers = #tpu.dot_dimension_numbers<[1], [0], [0], [1], [0, 0, 1, 1], [], []>, transpose_lhs_hint = false} : vector<512x64xf32>, vector<64x128xf32>, vector<512x128xf32> -> vector<512x128xf32>
    %get3A_6 = arith.constant 0 : index
    %get3A_7 = arith.constant 0 : index
    %get3A_8 = vector.load %arg2[%get3A_6, %get3A_7] : memref<512x64xf32, #tpu.memory_space<vmem>>, vector<512x64xf32>
    %get3A_9 = arith.constant 0 : index
    %get3A_10 = arith.constant 0 : index
    %get3A_11 = vector.load %arg5[%get3A_9, %get3A_10] : memref<64x128xf32, #tpu.memory_space<vmem>>, vector<64x128xf32>
    %dot_general3A_12 = arith.constant dense<0.000000e+00> : vector<512x128xf32>
    %dot_general3A_13 = tpu.matmul %get3A_8, %get3A_11, %dot_general3A_12 {dimension_numbers = #tpu.dot_dimension_numbers<[1], [0], [0], [1], [0, 0, 1, 1], [], []>, transpose_lhs_hint = false} : vector<512x64xf32>, vector<64x128xf32>, vector<512x128xf32> -> vector<512x128xf32>
    %add3A = arith.addf %dot_general3A_5, %dot_general3A_13 : vector<512x128xf32>
    %get3A_14 = arith.constant 0 : index
    %get3A_15 = arith.constant 0 : index
    %get3A_16 = vector.load %arg3[%get3A_14, %get3A_15] : memref<512x128xf32, #tpu.memory_space<vmem>>, vector<512x128xf32>
    %get3A_17 = arith.constant 0 : index
    %get3A_18 = arith.constant 0 : index
    %get3A_19 = vector.load %arg6[%get3A_17, %get3A_18] : memref<128x128xf32, #tpu.memory_space<vmem>>, vector<128x128xf32>
    %dot_general3A_20 = arith.constant dense<0.000000e+00> : vector<512x128xf32>
    %dot_general3A_21 = tpu.matmul %get3A_16, %get3A_19, %dot_general3A_20 {dimension_numbers = #tpu.dot_dimension_numbers<[1], [0], [0], [1], [0, 0, 1, 1], [], []>, transpose_lhs_hint = false} : vector<512x128xf32>, vector<128x128xf32>, vector<512x128xf32> -> vector<512x128xf32>
    %add3A_22 = arith.addf %add3A, %dot_general3A_21 : vector<512x128xf32>
    %get3A_23 = arith.constant 0 : index
    %get3A_24 = arith.constant 0 : index
    %get3A_25 = vector.load %arg7[%get3A_23, %get3A_24] : memref<1x128xf32, #tpu.memory_space<vmem>>, vector<1x128xf32>
    %add3A_26 = vector.broadcast %get3A_25 : vector<1x128xf32> to vector<512x128xf32>
    %add3A_27 = arith.addf %add3A_22, %add3A_26 : vector<512x128xf32>
    %max3A = arith.constant 0.000000e+00 : f32
    %max3A_28 = vector.broadcast %max3A : f32 to vector<512x128xf32>
    %max3A_29 = arith.maximumf %add3A_27, %max3A_28 : vector<512x128xf32>
    %get3A_30 = arith.constant 0 : index
    %get3A_31 = arith.constant 0 : index
    %get3A_32 = vector.load %arg8[%get3A_30, %get3A_31] : memref<128x128xf32, #tpu.memory_space<vmem>>, vector<128x128xf32>
    %dot_general3A_33 = arith.constant dense<0.000000e+00> : vector<512x128xf32>
    %dot_general3A_34 = tpu.matmul %max3A_29, %get3A_32, %dot_general3A_33 {dimension_numbers = #tpu.dot_dimension_numbers<[1], [0], [0], [1], [0, 0, 1, 1], [], []>, transpose_lhs_hint = false} : vector<512x128xf32>, vector<128x128xf32>, vector<512x128xf32> -> vector<512x128xf32>
    %get3A_35 = arith.constant 0 : index
    %get3A_36 = arith.constant 0 : index
    %get3A_37 = vector.load %arg9[%get3A_35, %get3A_36] : memref<1x128xf32, #tpu.memory_space<vmem>>, vector<1x128xf32>
    %add3A_38 = vector.broadcast %get3A_37 : vector<1x128xf32> to vector<512x128xf32>
    %add3A_39 = arith.addf %dot_general3A_34, %add3A_38 : vector<512x128xf32>
    %max3A_40 = arith.constant 0.000000e+00 : f32
    %max3A_41 = vector.broadcast %max3A_40 : f32 to vector<512x128xf32>
    %max3A_42 = arith.maximumf %add3A_39, %max3A_41 : vector<512x128xf32>
    %get3A_43 = arith.constant 0 : index
    %get3A_44 = arith.constant 0 : index
    %get3A_45 = vector.load %arg10[%get3A_43, %get3A_44] : memref<1x128xf32, #tpu.memory_space<vmem>>, vector<1x128xf32>
    %mul3A = vector.broadcast %get3A_45 : vector<1x128xf32> to vector<512x128xf32>
    %mul3A_46 = arith.mulf %max3A_42, %mul3A : vector<512x128xf32>
    %reduce_sum3A = arith.constant dense<0.000000e+00> : vector<512xf32>
    %reduce_sum3A_47 = vector.multi_reduction <add>, %mul3A_46, %reduce_sum3A [1] : vector<512x128xf32> to vector<512xf32>
    %broadcast_in_dim3A = vector.shape_cast %reduce_sum3A_47 : vector<512xf32> to vector<512x1xf32>
    %get3A_48 = arith.constant 0 : index
    %get3A_49 = arith.constant 0 : index
    %get3A_50 = vector.load %arg11[%get3A_48, %get3A_49] : memref<1x1xf32, #tpu.memory_space<vmem>>, vector<1x1xf32>
    %add3A_51 = vector.broadcast %get3A_50 : vector<1x1xf32> to vector<512x1xf32>
    %add3A_52 = arith.addf %broadcast_in_dim3A, %add3A_51 : vector<512x1xf32>
    %neg3A = arith.constant 0.000000e+00 : f32
    %neg3A_53 = vector.broadcast %neg3A : f32 to vector<512x1xf32>
    %neg3A_54 = arith.subf %neg3A_53, %add3A_52 : vector<512x1xf32>
    %exp3A = math.exp %neg3A_54 : vector<512x1xf32>
    %add3A_55 = arith.constant 1.000000e+00 : f32
    %add3A_56 = vector.broadcast %add3A_55 : f32 to vector<512x1xf32>
    %add3A_57 = arith.addf %add3A_56, %exp3A : vector<512x1xf32>
    %div3A = arith.constant 1.000000e+00 : f32
    %div3A_58 = vector.broadcast %div3A : f32 to vector<512x1xf32>
    %div3A_59 = arith.divf %div3A_58, %add3A_57 : vector<512x1xf32>
    %swap3A = arith.constant 0 : index
    %swap3A_60 = arith.constant 0 : index
    %swap3A_61 = vector.load %arg12[%swap3A, %swap3A_60] : memref<512x1xf32, #tpu.memory_space<vmem>>, vector<512x1xf32>
    tpu.vector_store %arg12[%swap3A, %swap3A_60], %div3A_59 {strides = array<i32>} : memref<512x1xf32, #tpu.memory_space<vmem>>, vector<512x1xf32>,
    return
  }
  func.func @transform_0(%arg0: i32) -> (i32, i32) {
    %c0_i32 = arith.constant 0 : i32
    %c0_i32_0 = arith.constant 0 : i32
    return %arg0, %c0_i32 : i32, i32
  }
  func.func @transform_1(%arg0: i32) -> (i32, i32) {
    %c0_i32 = arith.constant 0 : i32
    %c0_i32_0 = arith.constant 0 : i32
    return %arg0, %c0_i32 : i32, i32
  }
  func.func @transform_2(%arg0: i32) -> (i32, i32) {
    %c0_i32 = arith.constant 0 : i32
    %c0_i32_0 = arith.constant 0 : i32
    return %arg0, %c0_i32 : i32, i32
  }
  func.func @transform_3(%arg0: i32) -> (i32, i32) {
    %c0_i32 = arith.constant 0 : i32
    %c0_i32_0 = arith.constant 0 : i32
    %c0_i32_1 = arith.constant 0 : i32
    return %c0_i32, %c0_i32_0 : i32, i32
  }
  func.func @transform_4(%arg0: i32) -> (i32, i32) {
    %c0_i32 = arith.constant 0 : i32
    %c0_i32_0 = arith.constant 0 : i32
    %c0_i32_1 = arith.constant 0 : i32
    return %c0_i32, %c0_i32_0 : i32, i32
  }
  func.func @transform_5(%arg0: i32) -> (i32, i32) {
    %c0_i32 = arith.constant 0 : i32
    %c0_i32_0 = arith.constant 0 : i32
    %c0_i32_1 = arith.constant 0 : i32
    return %c0_i32, %c0_i32_0 : i32, i32
  }
  func.func @transform_6(%arg0: i32) -> (i32, i32) {
    %c0_i32 = arith.constant 0 : i32
    %c0_i32_0 = arith.constant 0 : i32
    %c0_i32_1 = arith.constant 0 : i32
    return %c0_i32, %c0_i32_0 : i32, i32
  }
  func.func @transform_7(%arg0: i32) -> (i32, i32) {
    %c0_i32 = arith.constant 0 : i32
    %c0_i32_0 = arith.constant 0 : i32
    %c0_i32_1 = arith.constant 0 : i32
    return %c0_i32, %c0_i32_0 : i32, i32
  }
  func.func @transform_8(%arg0: i32) -> (i32, i32) {
    %c0_i32 = arith.constant 0 : i32
    %c0_i32_0 = arith.constant 0 : i32
    %c0_i32_1 = arith.constant 0 : i32
    return %c0_i32, %c0_i32_0 : i32, i32
  }
  func.func @transform_9(%arg0: i32) -> (i32, i32) {
    %c0_i32 = arith.constant 0 : i32
    %c0_i32_0 = arith.constant 0 : i32
    %c0_i32_1 = arith.constant 0 : i32
    return %c0_i32, %c0_i32_0 : i32, i32
  }
  func.func @transform_10(%arg0: i32) -> (i32, i32) {
    %c0_i32 = arith.constant 0 : i32
    %c0_i32_0 = arith.constant 0 : i32
    %c0_i32_1 = arith.constant 0 : i32
    return %c0_i32, %c0_i32_0 : i32, i32
  }
  func.func @transform_11(%arg0: i32) -> (i32, i32) {
    %c0_i32 = arith.constant 0 : i32
    %c0_i32_0 = arith.constant 0 : i32
    return %arg0, %c0_i32 : i32, i32
  }
}

</mosaic_0001>

<sc_bundles>
// kernel: kernel.4.cloned.1.call-start
scs
__scs_entry_jumppad:
0x0: {  	(pc) =	sbr.rel $0x88, $3  }
0x1: {  	(tag) =	ssettag $0x0;
	lr =	simm.s32 $0x1  }
0x2: {  	[smem:$0x3F96] =	sst lr;
	_ =	strace $0xD0000000  }
0x3: {  	_ = 	snop  }
0x4: {  	_ = 	snop  }
0x5: {  	_ = 	snop  }
0x6: {  	_ = 	snop  }
0x7: {  	_ = 	snop  }
__scs_overlays_trampoline_lowered:
0x8: {  	[smem:$0x3FA5] =	sst s0  }
0x9: {  	[smem:$0x3FA6] =	sst s1  }
0xa: {  	[smem:$0x3FA7] =	sst s2  }
0xb: {  	[smem:$0x3FA8] =	sst s3  }
0xc: {  	[smem:$0x3FA9] =	sst s4  }
0xd: {  	[smem:$0x3FAA] =	sst s5  }
0xe: {  	[smem:$0x3FAB] =	sst s6  }
0xf: {  	[smem:$0x3FAC] =	sst s7  }
0x10: {  	[smem:$0x3FAD] =	sst s8  }
0x11: {  	[smem:$0x3FAE] =	sst s9;
	s0 =	simm.s32 @!p0 $0x0  }
0x12: {  	s1 =	sld [smem:$0x3F94];
	s0 =	simm.s32 @p0 $0x1  }
0x13: {  	[smem:$0x3FAF] =	sst s0;
	s0 =	simm.s32 @!p1 $0x0  }
0x14: {  	s2 =	sld [smem:$0x3F93];
	s0 =	simm.s32 @p1 $0x1  }
0x15: {  	[smem:$0x3FB0] =	sst s0;
	s0 =	simm.s32 @!p2 $0x0  }
0x16: {  	s3 =	sld [smem:$0x3FDB];
	s0 =	simm.s32 @p2 $0x1  }
0x17: {  	s4 =	simm.s32 $0x1BF5;
	[smem:$0x3FB2] =	sst s0  }
0x18: {  	s0 =	sld [smem:$0x3F95];
	_ =	swait.ge [sflag:s4], $0x0  }
0x19: {  	s7 =	sld [smem:$0x3F96]  }
0x1a: {  	s8 =	sadd.s32 $0xFFFFE003, lr  }
0x1b: {  	s9 =	sadd.s32 $0xFFFFFEF7, lr;
	s5 =	simm.s32 $0xFFFFFFFF;
	p2 =	slt.u32 s8, $0xFFFFF086  }
0x1c: {  	p1 =	slt.u32 s9, $0xF7A;
	s5 =	simm.s32 @!p2 $0x0  }
0x1d: {  	s5 =	simm.s32 @p1 $0x1;
	p0 =	seq.s32 s7, s2  }
0x1e: {  	s7 =	smul.u32 @!p0 $0xF7A, s2;
	p2 =	seq.s32 @!p0 s5, $0x0  }
0x1f: {  	s9 =	smul.u32 $0xF7A, s1;
	s8 =	simm.s32 @!p0 $0x1BF5;
	p2 =	por !p2, p0  }
0x20: {  	[sflag:s8] =	ssyncset.s32 @!p0 $0xFFFFF086;
	s6 =	sadd.s32 @!p0 s3, s7;
	s7 =	simm.s32 @!p0 $0x108  }
0x21: {  	s3 =	sadd.s32 s3, s9;
	s6 =	sadd.s32 @!p0 $0x88, s6;
	s7 =	simm.s32 @p2 $0x1082  }
0x22: {  	[simem:s7], [sflag:s8] =	dma.local @!p0 [hbm:s6], $0xF7A  }
0x23: {  	s9 =	sor.u32 $0xD0000000, s2;
	s6 =	simm.s32 $0x108;
	_ =	swait.ge @!p0 [sflag:s8], $0x0  }
0x24: {  	s3 =	sadd.s32 $0x88, s3;
	s6 =	simm.s32 @!p1 $0x1082;
	[sflag:s4] =	ssyncset.s32 $0xFFFFF086  }
0x25: {  	[simem:s6], [sflag:s4] =	dma.local [hbm:s3], $0xF7A  }
0x26: {  	[smem:$0x3F96] =	sst s1;
	(tag) =	ssettag s2;
	_ =	strace s9  }
0x27: {  	s1 =	sld [smem:$0x3FA6]  }
0x28: {  	s2 =	sld [smem:$0x3FA7]  }
0x29: {  	s4 =	sld [smem:$0x3FA9]  }
0x2a: {  	p0 =	seq.s32 s5, $0x0;
	s5 =	sld [smem:$0x3FAA]  }
0x2b: {  	s6 =	sld [smem:$0x3FAB]  }
0x2c: {  	s7 =	sld [smem:$0x3FAC]  }
0x2d: {  	s3 =	simm.s32 $0x108;
	s8 =	sld [smem:$0x3FAD]  }
0x2e: {  	s3 =	simm.s32 @!p0 $0x1082;
	s9 =	sld [smem:$0x3FAE]  }
0x2f: {  	lr =	sadd.s32 s0, s3;
	s0 =	sld [smem:$0x3FA5]  }
0x30: {  	s3 =	sld [smem:$0x3FA8]  }
0x31: {  	[smem:$0x3FB1] =	sst s10  }
0x32: {  	s10 =	sld [smem:$0x3FAF];
	_ =	sdelay $0x3  }
0x33: {  	p0 =	seq.s32 s10, $0x1;
	s10 =	sld [smem:$0x3FB1];
	_ =	sdelay $0x3  }
0x34: {  	[smem:$0x3FB1] =	sst s10  }
0x35: {  	s10 =	sld [smem:$0x3FB0];
	_ =	sdelay $0x3  }
0x36: {  	p1 =	seq.s32 s10, $0x1;
	s10 =	sld [smem:$0x3FB1];
	_ =	sdelay $0x3  }
0x37: {  	[smem:$0x3FB1] =	sst s10  }
0x38: {  	s10 =	sld [smem:$0x3FB2]  }
0x39: {  	_ = 	snop;
	(pc) =	sbr.ind lr, $3  }
0x3a: {  	_ = 	snop  }
0x3b: {  	_ = 	snop  }
0x3c: {  	p2 =	seq.s32 s10, $0x1;
	s10 =	sld [smem:$0x3FB1]  }
0x3d: {  	_ =	shalt  }
0x3e: {  	_ =	shalt  }
0x3f: {  	_ =	shalt  }
0x40: {  	_ =	shalt  }
0x41: {  	_ =	shalt  }
0x42: {  	_ =	shalt  }
0x43: {  	_ =	shalt  }
0x44: {  	_ =	shalt  }
0x45: {  	_ =	shalt  }
0x46: {  	_ =	shalt  }
0x47: {  	_ =	shalt  }
0x48: {  	_ =	shalt  }
0x49: {  	_ =	shalt  }
0x4a: {  	_ =	shalt  }
0x4b: {  	_ =	shalt  }
0x4c: {  	_ =	shalt  }
0x4d: {  	_ =	shalt  }
0x4e: {  	_ =	shalt  }
0x4f: {  	_ =	shalt  }
0x50: {  	_ =	shalt  }
0x51: {  	_ =	shalt  }
0x52: {  	_ =	shalt  }
0x53: {  	_ =	shalt  }
0x54: {  	_ =	shalt  }
0x55: {  	_ =	shalt  }
0x56: {  	_ =	shalt  }
0x57: {  	_ =	shalt  }
0x58: {  	_ =	shalt  }
0x59: {  	_ =	shalt  }
0x5a: {  	_ =	shalt  }
0x5b: {  	_ =	shalt  }
0x5c: {  	_ =	shalt  }
0x5d: {  	_ =	shalt  }
0x5e: {  	_ =	shalt  }
0x5f: {  	_ =	shalt  }
0x60: {  	_ =	shalt  }
0x61: {  	_ =	shalt  }
0x62: {  	_ =	shalt  }
0x63: {  	_ =	shalt  }
0x64: {  	_ =	shalt  }
0x65: {  	_ =	shalt  }
0x66: {  	_ =	shalt  }
0x67: {  	_ =	shalt  }
0x68: {  	_ =	shalt  }
0x69: {  	_ =	shalt  }
0x6a: {  	_ =	shalt  }
0x6b: {  	_ =	shalt  }
0x6c: {  	_ =	shalt  }
0x6d: {  	_ =	shalt  }
0x6e: {  	_ =	shalt  }
0x6f: {  	_ =	shalt  }
0x70: {  	_ =	shalt  }
0x71: {  	_ =	shalt  }
0x72: {  	_ =	shalt  }
0x73: {  	_ =	shalt  }
0x74: {  	_ =	shalt  }
0x75: {  	_ =	shalt  }
0x76: {  	_ =	shalt  }
0x77: {  	_ =	shalt  }
0x78: {  	_ =	shalt  }
0x79: {  	_ =	shalt  }
0x7a: {  	_ =	shalt  }
0x7b: {  	_ =	shalt  }
0x7c: {  	_ =	shalt  }
0x7d: {  	_ =	shalt  }
0x7e: {  	_ =	shalt  }
0x7f: {  	_ =	shalt  }
0x80: {  	_ =	shalt  }
0x81: {  	_ =	shalt  }
0x82: {  	_ =	shalt  }
0x83: {  	_ =	shalt  }
0x84: {  	_ =	shalt  }
0x85: {  	_ =	shalt  }
0x86: {  	_ =	shalt  }
0x87: {  	_ =	shalt  }
.Lfunc_end0:
.L_simem_size_0:
called_computation_lowered:
.L_overlay_start_0:
0x88: {  	s2 =	sld [smem:$0x3FD9]  }
0x89: {  	s3 =	sld [smem:$0x3FFE];
	_ =	sdelay $0x1  }
0x8a: {  	s1 =	srdreg.scid  }
0x8b: {  	s0 =	sand.u32 $0x1, s1  }
0x8c: {  	s17 =	sshll.u32 s0, $0xA;
	s2 =	sadd.s32 s3, s2  }
0x8d: {  	s2 =	sadd.s32 s2, s17  }
0x8e: {  	[smem:$0x3FBD] =	sst s2  }
0x8f: {  	_ = 	snop  }
0x90: {  	s2 =	sld [smem:$0x3FC9]  }
0x91: {  	s18 =	sld [smem:$0x3FC8];
	(tm) =	ssettm $0x1  }
0x92: {  	s4 =	sld [smem:$0x3FFB];
	_ =	sdelay $0x3  }
0x93: {  	_ =	strace s4  }
0x94: {  	s4 =	sld [smem:$0x3FFC];
	_ =	sdelay $0x3  }
0x95: {  	_ =	strace s4  }
0x96: {  	s4 =	sld [smem:$0x3FFD];
	_ =	sdelay $0x3  }
0x97: {  	_ =	strace s4  }
0x98: {  	_ =	strace $0x8FFFFFFF  }
0x99: {  	s19 =	sld [smem:$0x3FDB];
	_ =	sdelay $0x1  }
0x9a: {  	s5 =	simm.s32 $_scs_section_size  }
0x9b: {  	s6 =	simm.s32 $_size__tile_overlayer_lowered;
	s7 =	simm.s32 $_tile_overlayer_lowered  }
0x9c: {  	s22 =	simm.s32 $0x1BFF;
	s21 =	sshll.u32 s7, $0x1;
	s4 =	sadd.s32 s5, s19  }
0x9d: {  	s8 =	simm.s32 $0x0;
	s20 =	sshll.u32 s6, $0x1;
	s6 =	sadd.s32 s21, s4  }
0x9e: {  	[timem:s8], [sflag:s22] =	dma.local [hbm:s6], s20  }
0x9f: {  	_ =	swait.ge [sflag:s22], s20  }
0xa0: {  	s5 =	ssub.s32 $0x0, s20;
	[sflag:s22] =	ssyncset.done $0x0  }
0xa1: {  	[sflag:s22] =	ssyncadd.s32 s5;
	_ =	sdelay $0x1  }
0xa2: {  	s23 =	simm.s32 $0x1B8B  }
0xa3: {  	_ =	swait.ge [sflag:s23], $0x1  }
0xa4: {  	[sflag:s23] =	ssyncset.done $0x0  }
0xa5: {  	s25 =	simm.s32 $0x1B8E;
	s24 =	sld [smem:$0x3FFE];
	[sflag:s23] =	ssyncadd.s32 $0xFFFFFFFF  }
0xa6: {  	s26 =	simm.s32 $execute0_lowered;
	[smem:$0x3FD2] =	sst s25  }
0xa7: {  	s6 =	sshll.u32 s26, $0x1;
	_ =	strace $0x80000046;
	[dreg:$0x1] =	wrdreg $0xFFFFFFFF  }
0xa8: {  	s28 =	simm.s32 $_size_execute0_lowered;
	s4 =	sadd.s32 s4, s6;
	[dreg:$0x0] =	wrdreg $0x0  }
0xa9: {  	s6 =	sshll.u32 s28, $0x1;
	[dreg:$0x2] =	wrdreg s4  }
0xaa: {  	[dreg:$0x3] =	wrdreg s6  }
0xab: {  	[dreg:$0x4] =	wrdreg $0xC0  }
0xac: {  	_ =	task [dreg:s8], $0x5FFFF  }
0xad: {  	[dreg:$0x1] =	wrdreg $0xFFFFFFFF  }
0xae: {  	[dreg:$0x0] =	wrdreg $0x60  }
0xaf: {  	[dreg:$0x2] =	wrdreg s2  }
0xb0: {  	[dreg:$0x3] =	wrdreg s18  }
0xb1: {  	[dreg:$0x4] =	wrdreg s24  }
0xb2: {  	[dreg:$0x5] =	wrdreg $0x9  }
0xb3: {  	_ =	task.clear_ibuf [dreg:s8], $0x6FFFF;
	_ =	strace $0x90000046  }
0xb4: {  	s29 =	simm.s32 $0x9;
	_ =	strace $0x80000048  }
0xb5: {  	_ =	swait.ge [sflag:s29], $0x1  }
0xb6: {  	[sflag:s29] =	ssyncadd.s32 $0xFFFFFFFF  }
0xb7: {  	_ =	strace $0x90000048  }
0xb8: {  	_ =	sfence  }
0xb9: {  	s30 =	sld [smem:$0x0];
	_ =	sdelay $0x2  }
0xba: {  	s31 =	sshll.u32 s1, $0xD;
	s1 =	sshrl.u32 s1, $0x2  }
0xbb: {  	s3 =	sand.u32 $0x4000, s31;
	s1 =	sadd.s32 s1, s30  }
0xbc: {  	s0 =	sor.u32 s3, s0;
	s1 =	sshll.u32 s1, $0x11  }
0xbd: {  	s0 =	sor.u32 s1, s0  }
0xbe: {  	s0 =	sadd.s32 $0x8F2B, s0  }
0xbf: {  	[sflag:s0] =	ssyncadd.remote.s32 $0x1  }
0xc0: {  	_ =	sfence.sel $0xFFFF  }
0xc1: {  	[dreg:$0x0] =	wrdreg $0xFFFFFFFF;
	(pc) =	sbr.abs _section_cstart, $3  }
0xc2: {  	[dreg:$0x1] =	wrdreg $0xFFFFFFFF  }
0xc3: {  	_ =	task.clear_ibuf [dreg:s8], $0x2FFFF;
	_ =	strace $0x9FFFFFFF  }
0xc4: {  	(tm) =	ssettm $0x7FFFFFFF  }
0xc5: {  	_ =	shalt  }
tec
execute0_lowered:
.L_overlay_start_1:
0x0: {  	(tag) =	ssettag $0x1  }
0x1: {  	s5 =	rddreg [dreg:$0x0]  }
0x2: {  	s7 =	rddreg [dreg:$0x1]  }
0x3: {  	s6 =	rddreg [dreg:$0x2];
	s2 =	simm.s32 $0x0  }
0x4: {  	s3 =	srdreg.scid;
	s0 =	stileid.u32;
	s13 =	simm.s32 $0x0  }
0x5: {  	[smem:$0x7FF] =	sst s2;
	s4 =	sand.u32 $0x1, s3;
	s8 =	sshll.u32 s0, $0xA  }
0x6: {  	s3 =	sadd.s32 $0x1200, s6;
	s9 =	sshll.u32 s4, $0x9;
	s31 =	ssub.s32 $0x2, s4  }
0x7: {  	_ =	strace $0x80000047;
	s8 =	sor.u32 s9, s8;
	s11 =	sshrl.u32 s31, $0x1  }
0x8: {  	s4 =	sadd.s32 $0xF43600, s6;
	s10 =	sshll.u32 s8, $0x4;
	s9 =	ssub.s32 s31, s11  }
0x9: {  	s8 =	sshrl.u32 s8, $0x3;
	s11 =	simm.s32 $0x1;
	s10 =	sadd.s32 s10, s6  }
0xa: {  	s5 =	sadd.s32 s5, s8;
	s7 =	sadd.s32 s7, s8;
	s9 =	smax.u32 s9, $0x1  }
0xb: {  	s6 =	sadd.s32 $0x1E85A00, s10;
	s8 =	sadd.s32 $0x1EC5A00, s10;
	s10 =	simm.s32 $0x2  }
.LBB2_1:
0xc: {  	[tilespmem:s2], [sflag:$0x2] =	stream.linear.gather [hbm4b:s5+s2], $0x200, $0x38;
	[tilespmem:$0x10200] =	vst v63  }
0xd: {  	_ =	swait.ge [sflag:s10], $0x200  }
0xe: {  	[sflag:s10] =	ssyncset.done $0x0  }
0xf: {  	[sflag:s10] =	ssyncadd.s32 $0xFFFFFE00  }
0x10: {  	v0 =	vld [tilespmem:s2+$0x0];
	_ =	sdelay $0x4  }
0x11: {  	v0 =	vshll.u32 v0, $0x4  }
0x12: {  	(v2sf) =	vpush v0, $0x0  }
0x13: {  	(v2sf) =	vpush v0, $0x1  }
0x14: {  	(v2sf) =	vpush v0, $0x2;
	_ =	sdelay $0x1  }
0x15: {  	(v2sf) =	vpush v0, $0x4;
	_ =	sdelay $0x1  }
0x16: {  	(v2sf) =	vpush v0, $0x3  }
0x17: {  	(v2sf) =	vpush v0, $0x5  }
0x18: {  	s15 =	simm.s32 $0x2000;
	s14 =	simm.s32 $0x0;
	s16 =	simm.s32 $0x0;
	(v2sf) =	vpush v0, $0x6  }
.LBB2_2:
0x19: {  	p0 =	sne.s32 s15, $0x3E000  }
0x1a: {  	s26 =	sadd.s32 $0x280, s14;
	s20 =	sadd.s32 $0x780, s14;
	s17 =	smov.u32 s15  }
0x1b: {  	s15 =	sadd.s32 $0x2000, s15;
	s23 =	sadd.s32 $0x580, s14;
	s18 =	sadd.s32 $0x800, s14;
	(v2sf) =	vpush v0, $0x7  }
0x1c: {  	s25 =	sadd.s32 $0x480, s14;
	s22 =	sadd.s32 $0x600, s14;
	s19 =	sadd.s32 $0x880, s14  }
0x1d: {  	s28 =	sadd.s32 $0x200, s14;
	s29 =	sadd.s32 $0x400, s14;
	(v2sf) =	vpush v0, $0x8  }
0x1e: {  	s30 =	sadd.s32 $0x500, s14;
	s16 =	sadd.s32 $0x10, s16  }
0x1f: {  	s31 =	sadd.s32 $0x300, s14;
	s21 =	sadd.s32 $0x700, s14;
	s24 =	spop (v2sf);
	(v2sf) =	vpush v0, $0x9  }
0x20: {  	s0 =	sand.u32 $0x1FFFFFF0, s24;
	s24 =	sadd.s32 $0x680, s14;
	s1 =	spop (v2sf)  }
0x21: {  	s0 =	sadd.s32 s3, s0;
	s1 =	sand.u32 $0x1FFFFFF0, s1;
	s12 =	spop (v2sf);
	(v2sf) =	vpush v0, $0xA  }
0x22: {  	[tilespmem:s28], [sflag:$0x1] =	stream.linear.gather [hbm4b:s0+s2], $0x80, $0x38;
	[tilespmem:$0x10200] =	vst v63  }
0x23: {  	s0 =	sadd.s32 s3, s1;
	s1 =	sadd.s32 $0x380, s14;
	s28 =	spop (v2sf);
	(v2sf) =	vpush v0, $0xB  }
0x24: {  	[tilespmem:s26], [sflag:$0x1] =	stream.linear.gather [hbm4b:s0+s2], $0x80, $0x38;
	[tilespmem:$0x10200] =	vst v63  }
0x25: {  	s0 =	sand.u32 $0x1FFFFFF0, s12;
	s12 =	sand.u32 $0x1FFFFFF0, s28;
	s26 =	spop (v2sf);
	(v2sf) =	vpush v0, $0xC  }
0x26: {  	s0 =	sadd.s32 s3, s0;
	s26 =	sand.u32 $0x1FFFFFF0, s26;
	s28 =	spop (v2sf)  }
0x27: {  	[tilespmem:s31], [sflag:$0x1] =	stream.linear.gather [hbm4b:s0+s2], $0x80, $0x38;
	(v2sf) =	vpush v0, $0xD;
	[tilespmem:$0x10200] =	vst v63  }
0x28: {  	s0 =	sadd.s32 s3, s26;
	s26 =	sand.u32 $0x1FFFFFF0, s28;
	s28 =	spop (v2sf)  }
0x29: {  	[tilespmem:s1], [sflag:$0x1] =	stream.linear.gather [hbm4b:s0+s2], $0x80, $0x38;
	(v2sf) =	vpush v0, $0xE;
	[tilespmem:$0x10200] =	vst v63  }
0x2a: {  	s0 =	sadd.s32 s3, s12;
	s1 =	sand.u32 $0x1FFFFFF0, s28;
	s12 =	spop (v2sf)  }
0x2b: {  	[tilespmem:s29], [sflag:$0x1] =	stream.linear.gather [hbm4b:s0+s2], $0x80, $0x38;
	(v2sf) =	vpush v0, $0xF;
	[tilespmem:$0x10200] =	vst v63  }
0x2c: {  	s0 =	sadd.s32 s3, s26;
	s12 =	sand.u32 $0x1FFFFFF0, s12;
	s26 =	spop (v2sf)  }
0x2d: {  	[tilespmem:s25], [sflag:$0x1] =	stream.linear.gather [hbm4b:s0+s2], $0x80, $0x38;
	[tilespmem:$0x10200] =	vst v63  }
0x2e: {  	s0 =	sadd.s32 s3, s1;
	s1 =	sand.u32 $0x1FFFFFF0, s26;
	s25 =	spop (v2sf)  }
0x2f: {  	[tilespmem:s30], [sflag:$0x1] =	stream.linear.gather [hbm4b:s0+s2], $0x80, $0x38;
	[tilespmem:$0x10200] =	vst v63  }
0x30: {  	s0 =	sadd.s32 s3, s12;
	s12 =	sand.u32 $0x1FFFFFF0, s25;
	s25 =	spop (v2sf)  }
0x31: {  	[tilespmem:s23], [sflag:$0x1] =	stream.linear.gather [hbm4b:s0+s2], $0x80, $0x38;
	[tilespmem:$0x10200] =	vst v63  }
0x32: {  	s0 =	sadd.s32 s3, s1;
	s1 =	sand.u32 $0x1FFFFFF0, s25;
	s23 =	spop (v2sf)  }
0x33: {  	[tilespmem:s22], [sflag:$0x1] =	stream.linear.gather [hbm4b:s0+s2], $0x80, $0x38;
	[tilespmem:$0x10200] =	vst v63  }
0x34: {  	s0 =	sadd.s32 s3, s12;
	s12 =	sand.u32 $0x1FFFFFF0, s23;
	s22 =	spop (v2sf)  }
0x35: {  	[tilespmem:s24], [sflag:$0x1] =	stream.linear.gather [hbm4b:s0+s2], $0x80, $0x38;
	[tilespmem:$0x10200] =	vst v63  }
0x36: {  	s0 =	sadd.s32 s3, s1;
	s1 =	sand.u32 $0x1FFFFFF0, s22;
	s22 =	spop (v2sf)  }
0x37: {  	[tilespmem:s21], [sflag:$0x1] =	stream.linear.gather [hbm4b:s0+s2], $0x80, $0x38;
	[tilespmem:$0x10200] =	vst v63  }
0x38: {  	s0 =	sadd.s32 s3, s12;
	s12 =	sand.u32 $0x1FFFFFF0, s22;
	s21 =	spop (v2sf)  }
0x39: {  	[tilespmem:s20], [sflag:$0x1] =	stream.linear.gather [hbm4b:s0+s2], $0x80, $0x38;
	[tilespmem:$0x10200] =	vst v63  }
0x3a: {  	s0 =	sadd.s32 s3, s1;
	s1 =	sand.u32 $0x1FFFFFF0, s21;
	s20 =	spop (v2sf)  }
0x3b: {  	[tilespmem:s18], [sflag:$0x1] =	stream.linear.gather [hbm4b:s0+s2], $0x80, $0x38;
	[tilespmem:$0x10200] =	vst v63  }
0x3c: {  	s0 =	sadd.s32 s3, s12;
	s12 =	sand.u32 $0x1FFFFFF0, s20  }
0x3d: {  	[tilespmem:s19], [sflag:$0x1] =	stream.linear.gather [hbm4b:s0+s2], $0x80, $0x38;
	[tilespmem:$0x10200] =	vst v63  }
0x3e: {  	s1 =	sadd.s32 s3, s1;
	s0 =	sadd.s32 $0x900, s14  }
0x3f: {  	[tilespmem:s0], [sflag:$0x1] =	stream.linear.gather [hbm4b:s1+s2], $0x80, $0x38;
	[tilespmem:$0x10200] =	vst v63  }
0x40: {  	s0 =	sadd.s32 $0x980, s14;
	s1 =	sadd.s32 s3, s12  }
0x41: {  	[tilespmem:s0], [sflag:$0x1] =	stream.linear.gather [hbm4b:s1+s2], $0x80, $0x38;
	[tilespmem:$0x10200] =	vst v63  }
0x42: {  	v0 =	vld [tilespmem:s16+$0x0];
	_ =	sdelay $0x4  }
0x43: {  	v0 =	vshll.u32 v0, $0x4  }
0x44: {  	(v2sf) =	vpush v0, $0x0  }
0x45: {  	(v2sf) =	vpush v0, $0x1  }
0x46: {  	(v2sf) =	vpush v0, $0x2;
	_ =	sdelay $0x1  }
0x47: {  	(v2sf) =	vpush v0, $0x4  }
.Ltmp0:
0x48: {  	(pc) =	sbr.rel @p0 .LBB2_2-.Ltmp0, $3  }
0x49: {  	(v2sf) =	vpush v0, $0x3  }
0x4a: {  	(v2sf) =	vpush v0, $0x5;
	_ =	sdelay $0x1  }
0x4b: {  	s14 =	sshra.s32 s17, $0x2;
	(v2sf) =	vpush v0, $0x6  }
0x4c: {  	_ =	sdelay $0x1  }
0x4d: {  	s0 =	sadd.s32 $0x280, s14;
	s17 =	sadd.s32 $0x780, s14  }
0x4e: {  	s1 =	sadd.s32 $0x580, s14;
	s15 =	sadd.s32 $0x800, s14;
	(v2sf) =	vpush v0, $0x7;
	s12 =	sadd.s32 $0x480, s14  }
0x4f: {  	s18 =	sadd.s32 $0x600, s14;
	s16 =	sadd.s32 $0x880, s14;
	s19 =	sadd.s32 $0x200, s14  }
0x50: {  	s20 =	sadd.s32 $0x400, s14;
	s21 =	sadd.s32 $0x500, s14;
	(v2sf) =	vpush v0, $0x8;
	s22 =	spop (v2sf)  }
0x51: {  	s23 =	sadd.s32 $0x300, s14;
	s22 =	sand.u32 $0x1FFFFFF0, s22;
	s24 =	spop (v2sf)  }
0x52: {  	(v2sf) =	vpush v0, $0x9;
	s22 =	sadd.s32 s3, s22;
	s24 =	sand.u32 $0x1FFFFFF0, s24;
	s25 =	spop (v2sf)  }
0x53: {  	[tilespmem:s19], [sflag:$0x1] =	stream.linear.gather [hbm4b:s22+s2], $0x80, $0x38;
	[tilespmem:$0x10200] =	vst v63  }
0x54: {  	s26 =	sadd.s32 $0x380, s14;
	(v2sf) =	vpush v0, $0xA;
	s30 =	sadd.s32 s3, s24;
	s31 =	spop (v2sf)  }
0x55: {  	[tilespmem:s0], [sflag:$0x1] =	stream.linear.gather [hbm4b:s30+s2], $0x80, $0x38;
	[tilespmem:$0x10200] =	vst v63  }
0x56: {  	s19 =	sadd.s32 $0x700, s14;
	s28 =	sand.u32 $0x1FFFFFF0, s25;
	(v2sf) =	vpush v0, $0xB;
	s29 =	spop (v2sf)  }
0x57: {  	s22 =	sadd.s32 s3, s28;
	s0 =	sadd.s32 $0x680, s14;
	s25 =	sand.u32 $0x1FFFFFF0, s29  }
0x58: {  	(v2sf) =	vpush v0, $0xC;
	[tilespmem:s23], [sflag:$0x1] =	stream.linear.gather [hbm4b:s22+s2], $0x80, $0x38;
	[tilespmem:$0x10200] =	vst v63  }
0x59: {  	s30 =	sand.u32 $0x1FFFFFF0, s31;
	s31 =	spop (v2sf);
	s28 =	sadd.s32 s3, s25  }
0x5a: {  	(v2sf) =	vpush v0, $0xD;
	[tilespmem:s26], [sflag:$0x1] =	stream.linear.gather [hbm4b:s28+s2], $0x80, $0x38;
	[tilespmem:$0x10200] =	vst v63  }
0x5b: {  	s22 =	sadd.s32 s3, s30;
	s23 =	sand.u32 $0x1FFFFFF0, s31;
	s29 =	spop (v2sf)  }
0x5c: {  	(v2sf) =	vpush v0, $0xE;
	[tilespmem:s20], [sflag:$0x1] =	stream.linear.gather [hbm4b:s22+s2], $0x80, $0x38;
	[tilespmem:$0x10200] =	vst v63  }
0x5d: {  	s23 =	sadd.s32 s3, s23;
	s30 =	sand.u32 $0x1FFFFFF0, s29;
	s31 =	spop (v2sf)  }
0x5e: {  	(v2sf) =	vpush v0, $0xF;
	[tilespmem:s12], [sflag:$0x1] =	stream.linear.gather [hbm4b:s23+s2], $0x80, $0x38;
	[tilespmem:$0x10200] =	vst v63  }
0x5f: {  	s24 =	sand.u32 $0x1FFFFFF0, s31;
	s25 =	spop (v2sf);
	s20 =	sadd.s32 s3, s30  }
0x60: {  	[tilespmem:s21], [sflag:$0x1] =	stream.linear.gather [hbm4b:s20+s2], $0x80, $0x38;
	[tilespmem:$0x10200] =	vst v63  }
0x61: {  	s26 =	sand.u32 $0x1FFFFFF0, s25;
	s12 =	sadd.s32 s3, s24;
	s28 =	spop (v2sf)  }
0x62: {  	[tilespmem:s1], [sflag:$0x1] =	stream.linear.gather [hbm4b:s12+s2], $0x80, $0x38;
	[tilespmem:$0x10200] =	vst v63  }
0x63: {  	s20 =	sadd.s32 s3, s26;
	s29 =	sand.u32 $0x1FFFFFF0, s28;
	s30 =	spop (v2sf)  }
0x64: {  	[tilespmem:s18], [sflag:$0x1] =	stream.linear.gather [hbm4b:s20+s2], $0x80, $0x38;
	[tilespmem:$0x10200] =	vst v63  }
0x65: {  	s12 =	sand.u32 $0x1FFFFFF0, s30;
	s1 =	sadd.s32 s3, s29;
	s31 =	spop (v2sf)  }
0x66: {  	[tilespmem:s0], [sflag:$0x1] =	stream.linear.gather [hbm4b:s1+s2], $0x80, $0x38;
	[tilespmem:$0x10200] =	vst v63  }
0x67: {  	s12 =	sadd.s32 s3, s12;
	s20 =	sand.u32 $0x1FFFFFF0, s31;
	s21 =	spop (v2sf)  }
0x68: {  	[tilespmem:s19], [sflag:$0x1] =	stream.linear.gather [hbm4b:s12+s2], $0x80, $0x38;
	[tilespmem:$0x10200] =	vst v63  }
0x69: {  	s0 =	sadd.s32 s3, s20;
	s1 =	sand.u32 $0x1FFFFFF0, s21;
	s22 =	spop (v2sf)  }
0x6a: {  	[tilespmem:s17], [sflag:$0x1] =	stream.linear.gather [hbm4b:s0+s2], $0x80, $0x38;
	[tilespmem:$0x10200] =	vst v63  }
0x6b: {  	s23 =	sand.u32 $0x1FFFFFF0, s22;
	s1 =	sadd.s32 s3, s1;
	s24 =	spop (v2sf)  }
0x6c: {  	[tilespmem:s15], [sflag:$0x1] =	stream.linear.gather [hbm4b:s1+s2], $0x80, $0x38;
	[tilespmem:$0x10200] =	vst v63  }
0x6d: {  	s25 =	sand.u32 $0x1FFFFFF0, s24;
	s26 =	spop (v2sf);
	s0 =	sadd.s32 s3, s23  }
0x6e: {  	[tilespmem:s16], [sflag:$0x1] =	stream.linear.gather [hbm4b:s0+s2], $0x80, $0x38;
	[tilespmem:$0x10200] =	vst v63  }
0x6f: {  	s29 =	sadd.s32 $0x900, s14;
	s28 =	sand.u32 $0x1FFFFFF0, s26;
	s1 =	sadd.s32 s3, s25  }
0x70: {  	[tilespmem:s29], [sflag:$0x1] =	stream.linear.gather [hbm4b:s1+s2], $0x80, $0x38;
	[tilespmem:$0x10200] =	vst v63  }
0x71: {  	s30 =	sadd.s32 $0x980, s14;
	s0 =	sadd.s32 s3, s28  }
0x72: {  	[tilespmem:s30], [sflag:$0x1] =	stream.linear.gather [hbm4b:s0+s2], $0x80, $0x38;
	[tilespmem:$0x10200] =	vst v63  }
0x73: {  	_ =	swait.ge [sflag:s11], $0x10000  }
0x74: {  	[sflag:s11] =	ssyncset.done $0x0  }
0x75: {  	s31 =	simm.s32 $0x200;
	s15 =	simm.s32 $0x0;
	[sflag:s11] =	ssyncadd.s32 $0xFFFF0000  }
0x76: {  	[hbm4b:s6+s15] =	stream.linear.scatter [tilespmem:s31], [sflag:$0x2], $0x10000, $0x38;
	[tilespmem:$0x10200] =	vst v63  }
0x77: {  	_ =	swait.ge [sflag:s10], $0x10000  }
0x78: {  	[sflag:s10] =	ssyncset.done $0x0  }
0x79: {  	[sflag:s10] =	ssyncadd.s32 $0xFFFF0000  }
0x7a: {  	[tilespmem:s15], [sflag:$0x2] =	stream.linear.gather [hbm4b:s7+s15], $0x200, $0x38;
	[tilespmem:$0x10200] =	vst v63  }
0x7b: {  	_ =	swait.ge [sflag:s10], $0x200  }
0x7c: {  	[sflag:s10] =	ssyncset.done $0x0  }
0x7d: {  	[sflag:s10] =	ssyncadd.s32 $0xFFFFFE00  }
0x7e: {  	v0 =	vld [tilespmem:s15+$0x0];
	_ =	sdelay $0x4  }
0x7f: {  	v0 =	vshll.u32 v0, $0x4  }
0x80: {  	(v2sf) =	vpush v0, $0x0  }
0x81: {  	(v2sf) =	vpush v0, $0x1  }
0x82: {  	(v2sf) =	vpush v0, $0x2;
	_ =	sdelay $0x1  }
0x83: {  	(v2sf) =	vpush v0, $0x4;
	_ =	sdelay $0x1  }
0x84: {  	(v2sf) =	vpush v0, $0x3  }
0x85: {  	(v2sf) =	vpush v0, $0x5  }
0x86: {  	s14 =	simm.s32 $0x0;
	s16 =	simm.s32 $0x2000;
	(v2sf) =	vpush v0, $0x6  }
.LBB2_4:
0x87: {  	p0 =	sne.s32 s16, $0x3E000  }
0x88: {  	s0 =	sadd.s32 $0x280, s14;
	s20 =	sadd.s32 $0x780, s14;
	s17 =	smov.u32 s16  }
0x89: {  	s16 =	sadd.s32 $0x2000, s16;
	s23 =	sadd.s32 $0x580, s14;
	s18 =	sadd.s32 $0x800, s14;
	(v2sf) =	vpush v0, $0x7  }
0x8a: {  	s25 =	sadd.s32 $0x480, s14;
	s22 =	sadd.s32 $0x600, s14;
	s19 =	sadd.s32 $0x880, s14  }
0x8b: {  	s1 =	sadd.s32 $0x200, s14;
	s12 =	sadd.s32 $0x400, s14;
	(v2sf) =	vpush v0, $0x8  }
0x8c: {  	s26 =	sadd.s32 $0x500, s14;
	s15 =	sadd.s32 $0x10, s15  }
0x8d: {  	s28 =	sadd.s32 $0x300, s14;
	s21 =	sadd.s32 $0x700, s14;
	s24 =	spop (v2sf);
	(v2sf) =	vpush v0, $0x9  }
0x8e: {  	s29 =	sand.u32 $0x1FFFFFF0, s24;
	s24 =	sadd.s32 $0x680, s14;
	s30 =	spop (v2sf)  }
0x8f: {  	s29 =	sadd.s32 s4, s29;
	s30 =	sand.u32 $0x1FFFFFF0, s30;
	s31 =	spop (v2sf);
	(v2sf) =	vpush v0, $0xA  }
0x90: {  	[tilespmem:s1], [sflag:$0x1] =	stream.linear.gather [hbm4b:s29+s2], $0x80, $0x38;
	[tilespmem:$0x10200] =	vst v63  }
0x91: {  	s1 =	sadd.s32 s4, s30;
	s29 =	sadd.s32 $0x380, s14;
	s30 =	spop (v2sf);
	(v2sf) =	vpush v0, $0xB  }
0x92: {  	[tilespmem:s0], [sflag:$0x1] =	stream.linear.gather [hbm4b:s1+s2], $0x80, $0x38;
	[tilespmem:$0x10200] =	vst v63  }
0x93: {  	s0 =	sand.u32 $0x1FFFFFF0, s31;
	s1 =	sand.u32 $0x1FFFFFF0, s30;
	s30 =	spop (v2sf);
	(v2sf) =	vpush v0, $0xC  }
0x94: {  	s0 =	sadd.s32 s4, s0;
	s30 =	sand.u32 $0x1FFFFFF0, s30;
	s31 =	spop (v2sf)  }
0x95: {  	[tilespmem:s28], [sflag:$0x1] =	stream.linear.gather [hbm4b:s0+s2], $0x80, $0x38;
	(v2sf) =	vpush v0, $0xD;
	[tilespmem:$0x10200] =	vst v63  }
0x96: {  	s0 =	sadd.s32 s4, s30;
	s28 =	sand.u32 $0x1FFFFFF0, s31;
	s30 =	spop (v2sf)  }
0x97: {  	[tilespmem:s29], [sflag:$0x1] =	stream.linear.gather [hbm4b:s0+s2], $0x80, $0x38;
	(v2sf) =	vpush v0, $0xE;
	[tilespmem:$0x10200] =	vst v63  }
0x98: {  	s0 =	sadd.s32 s4, s1;
	s1 =	sand.u32 $0x1FFFFFF0, s30;
	s29 =	spop (v2sf)  }
0x99: {  	[tilespmem:s12], [sflag:$0x1] =	stream.linear.gather [hbm4b:s0+s2], $0x80, $0x38;
	(v2sf) =	vpush v0, $0xF;
	[tilespmem:$0x10200] =	vst v63  }
0x9a: {  	s0 =	sadd.s32 s4, s28;
	s12 =	sand.u32 $0x1FFFFFF0, s29;
	s28 =	spop (v2sf)  }
0x9b: {  	[tilespmem:s25], [sflag:$0x1] =	stream.linear.gather [hbm4b:s0+s2], $0x80, $0x38;
	[tilespmem:$0x10200] =	vst v63  }
0x9c: {  	s0 =	sadd.s32 s4, s1;
	s1 =	sand.u32 $0x1FFFFFF0, s28;
	s25 =	spop (v2sf)  }
0x9d: {  	[tilespmem:s26], [sflag:$0x1] =	stream.linear.gather [hbm4b:s0+s2], $0x80, $0x38;
	[tilespmem:$0x10200] =	vst v63  }
0x9e: {  	s0 =	sadd.s32 s4, s12;
	s12 =	sand.u32 $0x1FFFFFF0, s25;
	s25 =	spop (v2sf)  }
0x9f: {  	[tilespmem:s23], [sflag:$0x1] =	stream.linear.gather [hbm4b:s0+s2], $0x80, $0x38;
	[tilespmem:$0x10200] =	vst v63  }
0xa0: {  	s0 =	sadd.s32 s4, s1;
	s1 =	sand.u32 $0x1FFFFFF0, s25;
	s23 =	spop (v2sf)  }
0xa1: {  	[tilespmem:s22], [sflag:$0x1] =	stream.linear.gather [hbm4b:s0+s2], $0x80, $0x38;
	[tilespmem:$0x10200] =	vst v63  }
0xa2: {  	s0 =	sadd.s32 s4, s12;
	s12 =	sand.u32 $0x1FFFFFF0, s23;
	s22 =	spop (v2sf)  }
0xa3: {  	[tilespmem:s24], [sflag:$0x1] =	stream.linear.gather [hbm4b:s0+s2], $0x80, $0x38;
	[tilespmem:$0x10200] =	vst v63  }
0xa4: {  	s0 =	sadd.s32 s4, s1;
	s1 =	sand.u32 $0x1FFFFFF0, s22;
	s22 =	spop (v2sf)  }
0xa5: {  	[tilespmem:s21], [sflag:$0x1] =	stream.linear.gather [hbm4b:s0+s2], $0x80, $0x38;
	[tilespmem:$0x10200] =	vst v63  }
0xa6: {  	s0 =	sadd.s32 s4, s12;
	s12 =	sand.u32 $0x1FFFFFF0, s22;
	s21 =	spop (v2sf)  }
0xa7: {  	[tilespmem:s20], [sflag:$0x1] =	stream.linear.gather [hbm4b:s0+s2], $0x80, $0x38;
	[tilespmem:$0x10200] =	vst v63  }
0xa8: {  	s0 =	sadd.s32 s4, s1;
	s1 =	sand.u32 $0x1FFFFFF0, s21;
	s20 =	spop (v2sf)  }
0xa9: {  	[tilespmem:s18], [sflag:$0x1] =	stream.linear.gather [hbm4b:s0+s2], $0x80, $0x38;
	[tilespmem:$0x10200] =	vst v63  }
0xaa: {  	s0 =	sadd.s32 s4, s12;
	s12 =	sand.u32 $0x1FFFFFF0, s20  }
0xab: {  	[tilespmem:s19], [sflag:$0x1] =	stream.linear.gather [hbm4b:s0+s2], $0x80, $0x38;
	[tilespmem:$0x10200] =	vst v63  }
0xac: {  	s1 =	sadd.s32 s4, s1;
	s0 =	sadd.s32 $0x900, s14  }
0xad: {  	[tilespmem:s0], [sflag:$0x1] =	stream.linear.gather [hbm4b:s1+s2], $0x80, $0x38;
	[tilespmem:$0x10200] =	vst v63  }
0xae: {  	s0 =	sadd.s32 $0x980, s14;
	s1 =	sadd.s32 s4, s12  }
0xaf: {  	[tilespmem:s0], [sflag:$0x1] =	stream.linear.gather [hbm4b:s1+s2], $0x80, $0x38;
	[tilespmem:$0x10200] =	vst v63  }
0xb0: {  	v0 =	vld [tilespmem:s15+$0x0];
	_ =	sdelay $0x4  }
0xb1: {  	v0 =	vshll.u32 v0, $0x4  }
0xb2: {  	(v2sf) =	vpush v0, $0x0  }
0xb3: {  	(v2sf) =	vpush v0, $0x1  }
0xb4: {  	(v2sf) =	vpush v0, $0x2;
	_ =	sdelay $0x1  }
0xb5: {  	(v2sf) =	vpush v0, $0x4  }
.Ltmp1:
0xb6: {  	(pc) =	sbr.rel @p0 .LBB2_4-.Ltmp1, $3  }
0xb7: {  	(v2sf) =	vpush v0, $0x3  }
0xb8: {  	(v2sf) =	vpush v0, $0x5;
	_ =	sdelay $0x1  }
0xb9: {  	s14 =	sshra.s32 s17, $0x2;
	(v2sf) =	vpush v0, $0x6  }
0xba: {  	_ =	sdelay $0x1  }
0xbb: {  	s0 =	sadd.s32 $0x280, s14;
	s17 =	sadd.s32 $0x780, s14  }
0xbc: {  	s1 =	sadd.s32 $0x580, s14;
	s15 =	sadd.s32 $0x800, s14;
	(v2sf) =	vpush v0, $0x7;
	s12 =	sadd.s32 $0x480, s14  }
0xbd: {  	s18 =	sadd.s32 $0x600, s14;
	s16 =	sadd.s32 $0x880, s14;
	s19 =	sadd.s32 $0x200, s14  }
0xbe: {  	s20 =	sadd.s32 $0x400, s14;
	s21 =	sadd.s32 $0x500, s14;
	(v2sf) =	vpush v0, $0x8;
	s22 =	spop (v2sf)  }
0xbf: {  	s23 =	sadd.s32 $0x300, s14;
	s22 =	sand.u32 $0x1FFFFFF0, s22;
	s24 =	spop (v2sf)  }
0xc0: {  	(v2sf) =	vpush v0, $0x9;
	s22 =	sadd.s32 s4, s22;
	s24 =	sand.u32 $0x1FFFFFF0, s24;
	s25 =	spop (v2sf)  }
0xc1: {  	[tilespmem:s19], [sflag:$0x1] =	stream.linear.gather [hbm4b:s22+s2], $0x80, $0x38;
	[tilespmem:$0x10200] =	vst v63  }
0xc2: {  	s26 =	sadd.s32 $0x380, s14;
	(v2sf) =	vpush v0, $0xA;
	s30 =	sadd.s32 s4, s24;
	s31 =	spop (v2sf)  }
0xc3: {  	[tilespmem:s0], [sflag:$0x1] =	stream.linear.gather [hbm4b:s30+s2], $0x80, $0x38;
	[tilespmem:$0x10200] =	vst v63  }
0xc4: {  	s19 =	sadd.s32 $0x700, s14;
	s28 =	sand.u32 $0x1FFFFFF0, s25;
	(v2sf) =	vpush v0, $0xB;
	s29 =	spop (v2sf)  }
0xc5: {  	s22 =	sadd.s32 s4, s28;
	s0 =	sadd.s32 $0x680, s14;
	s25 =	sand.u32 $0x1FFFFFF0, s29  }
0xc6: {  	(v2sf) =	vpush v0, $0xC;
	[tilespmem:s23], [sflag:$0x1] =	stream.linear.gather [hbm4b:s22+s2], $0x80, $0x38;
	[tilespmem:$0x10200] =	vst v63  }
0xc7: {  	s30 =	sand.u32 $0x1FFFFFF0, s31;
	s31 =	spop (v2sf);
	s28 =	sadd.s32 s4, s25  }
0xc8: {  	(v2sf) =	vpush v0, $0xD;
	[tilespmem:s26], [sflag:$0x1] =	stream.linear.gather [hbm4b:s28+s2], $0x80, $0x38;
	[tilespmem:$0x10200] =	vst v63  }
0xc9: {  	s22 =	sadd.s32 s4, s30;
	s23 =	sand.u32 $0x1FFFFFF0, s31;
	s29 =	spop (v2sf)  }
0xca: {  	(v2sf) =	vpush v0, $0xE;
	[tilespmem:s20], [sflag:$0x1] =	stream.linear.gather [hbm4b:s22+s2], $0x80, $0x38;
	[tilespmem:$0x10200] =	vst v63  }
0xcb: {  	s23 =	sadd.s32 s4, s23;
	s30 =	sand.u32 $0x1FFFFFF0, s29;
	s31 =	spop (v2sf)  }
0xcc: {  	(v2sf) =	vpush v0, $0xF;
	[tilespmem:s12], [sflag:$0x1] =	stream.linear.gather [hbm4b:s23+s2], $0x80, $0x38;
	[tilespmem:$0x10200] =	vst v63  }
0xcd: {  	s24 =	sand.u32 $0x1FFFFFF0, s31;
	s25 =	spop (v2sf);
	s20 =	sadd.s32 s4, s30  }
0xce: {  	[tilespmem:s21], [sflag:$0x1] =	stream.linear.gather [hbm4b:s20+s2], $0x80, $0x38;
	[tilespmem:$0x10200] =	vst v63  }
0xcf: {  	s26 =	sand.u32 $0x1FFFFFF0, s25;
	s12 =	sadd.s32 s4, s24;
	s28 =	spop (v2sf)  }
0xd0: {  	[tilespmem:s1], [sflag:$0x1] =	stream.linear.gather [hbm4b:s12+s2], $0x80, $0x38;
	[tilespmem:$0x10200] =	vst v63  }
0xd1: {  	s20 =	sadd.s32 s4, s26;
	s29 =	sand.u32 $0x1FFFFFF0, s28;
	s30 =	spop (v2sf)  }
0xd2: {  	[tilespmem:s18], [sflag:$0x1] =	stream.linear.gather [hbm4b:s20+s2], $0x80, $0x38;
	[tilespmem:$0x10200] =	vst v63  }
0xd3: {  	s12 =	sand.u32 $0x1FFFFFF0, s30;
	s1 =	sadd.s32 s4, s29;
	s31 =	spop (v2sf)  }
0xd4: {  	[tilespmem:s0], [sflag:$0x1] =	stream.linear.gather [hbm4b:s1+s2], $0x80, $0x38;
	[tilespmem:$0x10200] =	vst v63  }
0xd5: {  	s12 =	sadd.s32 s4, s12;
	s20 =	sand.u32 $0x1FFFFFF0, s31;
	s21 =	spop (v2sf)  }
0xd6: {  	[tilespmem:s19], [sflag:$0x1] =	stream.linear.gather [hbm4b:s12+s2], $0x80, $0x38;
	[tilespmem:$0x10200] =	vst v63  }
0xd7: {  	s0 =	sadd.s32 s4, s20;
	s1 =	sand.u32 $0x1FFFFFF0, s21;
	s22 =	spop (v2sf)  }
0xd8: {  	[tilespmem:s17], [sflag:$0x1] =	stream.linear.gather [hbm4b:s0+s2], $0x80, $0x38;
	[tilespmem:$0x10200] =	vst v63  }
0xd9: {  	s23 =	sand.u32 $0x1FFFFFF0, s22;
	s1 =	sadd.s32 s4, s1;
	s24 =	spop (v2sf)  }
0xda: {  	[tilespmem:s15], [sflag:$0x1] =	stream.linear.gather [hbm4b:s1+s2], $0x80, $0x38;
	[tilespmem:$0x10200] =	vst v63  }
0xdb: {  	s25 =	sand.u32 $0x1FFFFFF0, s24;
	s26 =	spop (v2sf);
	s0 =	sadd.s32 s4, s23  }
0xdc: {  	[tilespmem:s16], [sflag:$0x1] =	stream.linear.gather [hbm4b:s0+s2], $0x80, $0x38;
	[tilespmem:$0x10200] =	vst v63  }
0xdd: {  	s29 =	sadd.s32 $0x900, s14;
	s28 =	sand.u32 $0x1FFFFFF0, s26;
	s1 =	sadd.s32 s4, s25  }
0xde: {  	[tilespmem:s29], [sflag:$0x1] =	stream.linear.gather [hbm4b:s1+s2], $0x80, $0x38;
	[tilespmem:$0x10200] =	vst v63  }
0xdf: {  	s30 =	sadd.s32 $0x980, s14;
	s0 =	sadd.s32 s4, s28  }
0xe0: {  	[tilespmem:s30], [sflag:$0x1] =	stream.linear.gather [hbm4b:s0+s2], $0x80, $0x38;
	[tilespmem:$0x10200] =	vst v63  }
0xe1: {  	s13 =	sadd.s32 $0x1, s13;
	_ =	swait.ge [sflag:s11], $0x10000  }
0xe2: {  	p0 =	sne.s32 s13, s9;
	[sflag:s11] =	ssyncset.done $0x0  }
.Ltmp2:
0xe3: {  	s31 =	simm.s32 $0x200;
	[sflag:s11] =	ssyncadd.s32 $0xFFFF0000;
	(pc) =	sbr.rel @p0 .LBB2_1-.Ltmp2, $4  }
0xe4: {  	[hbm4b:s8+s2] =	stream.linear.scatter [tilespmem:s31], [sflag:$0x2], $0x10000, $0x38;
	[tilespmem:$0x10200] =	vst v63  }
0xe5: {  	_ =	swait.ge [sflag:s10], $0x10000  }
0xe6: {  	[sflag:s10] =	ssyncset.done $0x0  }
0xe7: {  	[sflag:s10] =	ssyncadd.s32 $0xFFFF0000  }
0xe8: {  	_ =	sfence.sel $0x180000  }
0xe9: {  	[bflag:$0x0] =	sbarrier.arrive $0xFFFF  }
0xea: {  	_ =	strace $0x90000047  }
0xeb: {  	s0 =	stileid.u32;
	[bflag:$0x2] =	sbarrier.arrive $0xFFFF  }
0xec: {  	p0 =	sne.s32 s0, $0x0;
	s0 =	rddreg [dreg:$0x3]  }
0xed: {  	s0 =	sadd.s32 @!p0 $0x100000, s0  }
0xee: {  	[sflag:s0] =	ssyncadd.tile.s32 @!p0 $0x1;
	_ =	shalt  }
.Lfunc_end2:
_tile_overlayer_lowered:
.L_overlay_start_2:
0xef: {  	(tag) =	ssettag $0x2  }
0xf0: {  	s0 =	rddreg [dreg:$0x0];
	s2 =	stileid.u32  }
0xf1: {  	s1 =	rddreg [dreg:$0x1];
	p0 =	sne.s32 s2, $0x0  }
0xf2: {  	s3 =	rddreg [dreg:$0x2];
	[bflag:$0x3] =	sbarrier.arrive $0xFFFF;
	s2 =	simm.s32 @!p0 $0x1C02  }
0xf3: {  	[timem:s3], [sflag:s2] =	dma.local @!p0 [hbm:s0], s1  }
0xf4: {  	s0 =	simm.s32 @!p0 $0x2  }
0xf5: {  	_ =	swait.ge @!p0 [sflag:s0], s1  }
0xf6: {  	s1 =	ssub.s32 @!p0 $0x0, s1;
	[sflag:s0] =	ssyncset.done @!p0 $0x0  }
0xf7: {  	[sflag:s0] =	ssyncadd.s32 @!p0 s1  }
0xf8: {  	[bflag:$0x3] =	sbarrier.arrive $0xFFFF  }
0xf9: {  	_ =	shalt  }

</sc_bundles>
